<compile_context>
chip_gen: v7x
topology: tpu7x:2x2x1
jax: 0.10.2.dev20260603
libtpu: 0.0.44.dev20260713+nightly
codegen_flags: <defaults>
</compile_context>

<pallas_src>
import functools

import jax
import jax.numpy as jnp
from jax import lax
from jax.experimental import pallas as pl
from jax.experimental.pallas import tpu as pltpu
from jax.experimental.pallas import tpu_sc as plsc

B, L = 1024, 200
N = B * L
D_W, D_P, D_T = 128, 32, 16
D_PT = D_P + D_T
D_OUT = D_W + D_PT
N_POS, N_TYPES = 50, 30

NC, NS = 2, 16
NW = NC * NS
ROWS_PER_W = N // NW
CHUNK = 128
N_CHUNKS = ROWS_PER_W // CHUNK


def _make_sc_kernel():
    mesh = plsc.VectorSubcoreMesh(core_axis_name="c", subcore_axis_name="s")

    @functools.partial(
        pl.kernel,
        mesh=mesh,
        out_type=jax.ShapeDtypeStruct((N, D_OUT), jnp.float32),
        scratch_types=[
            pltpu.VMEM((CHUNK,), jnp.int32),
            pltpu.VMEM((CHUNK,), jnp.int32),
            pltpu.VMEM((CHUNK,), jnp.int32),
            pltpu.VMEM((CHUNK,), jnp.int32),
            pltpu.VMEM((CHUNK, D_W), jnp.float32),
            pltpu.VMEM((CHUNK, D_W), jnp.float32),
            pltpu.VMEM((CHUNK, D_OUT), jnp.float32),
            pltpu.VMEM((CHUNK, D_OUT), jnp.float32),
            pltpu.SemaphoreType.DMA,
            pltpu.SemaphoreType.DMA,
            pltpu.SemaphoreType.DMA,
            pltpu.SemaphoreType.DMA,
            pltpu.SemaphoreType.DMA,
            pltpu.SemaphoreType.DMA,
        ],
    )
    def k(tok_hbm, pt_hbm, wt_hbm, ptf_hbm, out_hbm,
          tok_i0, tok_i1, pt_i0, pt_i1, bpt0, bpt1, comb0, comb1,
          g_sem0, g_sem1, i_sem0, i_sem1, w_sem0, w_sem1):
        wid = lax.axis_index("s") * NC + lax.axis_index("c")
        row0 = wid * ROWS_PER_W

        set0 = (tok_i0, pt_i0, bpt0, comb0, g_sem0, i_sem0, w_sem0)
        set1 = (tok_i1, pt_i1, bpt1, comb1, g_sem1, i_sem1, w_sem1)

        def start_idx(c, s):
            tok_i, pt_i, _, _, _, i_sem, _ = s
            b = row0 + c * CHUNK
            pltpu.async_copy(tok_hbm.at[pl.ds(b, CHUNK)], tok_i, i_sem)
            pltpu.async_copy(pt_hbm.at[pl.ds(b, CHUNK)], pt_i, i_sem)

        def wait_idx(s):
            tok_i, pt_i, _, _, _, i_sem, _ = s
            pltpu.make_async_copy(
                tok_hbm.at[pl.ds(0, CHUNK)], tok_i, i_sem).wait()
            pltpu.make_async_copy(
                pt_hbm.at[pl.ds(0, CHUNK)], pt_i, i_sem).wait()

        def issue_gathers(s):
            tok_i, pt_i, bpt, comb, g_sem, _, _ = s
            pltpu.async_copy(
                wt_hbm.at[tok_i], comb.at[:, pl.ds(0, D_W)], g_sem)
            pltpu.async_copy(ptf_hbm.at[pt_i], bpt, g_sem)

        def wait_gathers(s):
            _, _, bpt, comb, g_sem, _, _ = s
            pltpu.make_async_copy(
                wt_hbm.at[pl.ds(0, CHUNK)],
                comb.at[:, pl.ds(0, D_W)], g_sem).wait()
            pltpu.make_async_copy(
                ptf_hbm.at[pl.ds(0, CHUNK)], bpt, g_sem).wait()

        def start_write(c, s):
            _, _, _, comb, _, _, w_sem = s
            pltpu.async_copy(
                comb, out_hbm.at[pl.ds(row0 + c * CHUNK, CHUNK)], w_sem)

        def wait_write(s):
            _, _, _, comb, _, _, w_sem = s
            pltpu.make_async_copy(
                comb, out_hbm.at[pl.ds(0, CHUNK)], w_sem).wait()

        def phase(c, cur, nxt, do_prefetch_idx, do_issue_next, do_wait_write):
            _, _, bpt, comb, _, _, _ = cur
            if do_issue_next:
                wait_idx(nxt)
                if do_wait_write:
                    wait_write(nxt)
                issue_gathers(nxt)
            wait_gathers(cur)

            def stitch(r, carry):
                row_src = bpt.at[r]
                row_dst = comb.at[r]
                row_dst[pl.ds(D_W, 16)] = row_src[pl.ds(0, 16)]
                row_dst[pl.ds(D_W + 16, 16)] = row_src[pl.ds(16, 16)]
                row_dst[pl.ds(D_W + 32, 16)] = row_src[pl.ds(32, 16)]
                return carry

            lax.fori_loop(0, CHUNK, stitch, 0)
            start_write(c, cur)
            if do_prefetch_idx:
                start_idx(c + 2, cur)

        start_idx(0, set0)
        start_idx(1, set1)
        wait_idx(set0)
        issue_gathers(set0)

        phase(0, set0, set1, True, True, False)

        def body(j, carry):
            c = 2 * j + 1
            phase(c, set1, set0, True, True, True)
            phase(c + 1, set0, set1, True, True, True)
            return carry

        lax.fori_loop(0, (N_CHUNKS - 4) // 2, body, 0)
        phase(N_CHUNKS - 3, set1, set0, True, True, True)
        phase(N_CHUNKS - 2, set0, set1, False, True, True)
        phase(N_CHUNKS - 1, set1, set0, False, False, False)
        wait_write(set0)
        wait_write(set1)

    return k


_sc_kernel = _make_sc_kernel()


def kernel(tokens, part_of_speeches, types, word_table, pos_table, type_table):
    tok = tokens.reshape(N).astype(jnp.int32)
    ptx = (part_of_speeches.reshape(N) * N_TYPES + types.reshape(N)).astype(
        jnp.int32)
    ptf = jnp.concatenate(
        [
            jnp.repeat(pos_table, N_TYPES, axis=0),
            jnp.tile(type_table, (N_POS, 1)),
            jnp.zeros((N_POS * N_TYPES, D_W - D_PT), jnp.float32),
        ],
        axis=1,
    )
    out = _sc_kernel(tok, ptx, word_table, ptf)
    return out.reshape(B, L, D_OUT)

# --- scband reference (transcript-rebuilt; emitter-appended) ---
"""Pipeline reference for scband-embeddings-31714038513768 (READ-ONLY COPY).

The authoritative reference and input builder live on the scoring server;
editing this copy changes nothing except your own understanding.
"""

import jax, jax.numpy as jnp
import numpy as np

VOCAB = 100000
WORD_DIM = 128
N_POS = 50
POS_DIM = 32
N_TYPES = 30
TYPE_DIM = 16
B, L = 1024, 200
PAD_ID = 0


def setup_inputs(seed: int = 0) -> dict:
    key = jax.random.key(seed)
    k1, k2, k3, k4, k5, k6 = jax.random.split(key, 6)
    tokens = jax.random.randint(k1, (B, L), 0, VOCAB, dtype=jnp.int64 if jax.config.jax_enable_x64 else jnp.int32)
    part_of_speeches = jax.random.randint(k2, (B, L), 0, N_POS, dtype=tokens.dtype)
    types = jax.random.randint(k3, (B, L), 0, N_TYPES, dtype=tokens.dtype)
    word_table = jax.random.normal(k4, (VOCAB, WORD_DIM), dtype=jnp.float32) * 0.02
    word_table = word_table.at[PAD_ID].set(0.0)  # padding_idx row is zeros
    pos_table = jax.random.normal(k5, (N_POS, POS_DIM), dtype=jnp.float32) * 0.02
    type_table = jax.random.normal(k6, (N_TYPES, TYPE_DIM), dtype=jnp.float32) * 0.02
    return {
        'tokens': tokens,
        'part_of_speeches': part_of_speeches,
        'types': types,
        'word_table': word_table,
        'pos_table': pos_table,
        'type_table': type_table,
    }


def reference(tokens, part_of_speeches, types, word_table, pos_table, type_table):
    # word / POS / type embedding lookups (gathers)
    w = jnp.take(word_table, tokens, axis=0)            # [B, L, 128]
    p = jnp.take(pos_table, part_of_speeches, axis=0)   # [B, L, 32]
    t = jnp.take(type_table, types, axis=0)             # [B, L, 16]
    embeddings = jnp.concatenate([w, p, t], axis=2)     # [B, L, 176]
    # Dropout is identity in eval mode (reference is deterministic)
    return embeddings

if __name__ == "__main__":
    import jax
    _d = setup_inputs()
    print(jax.jit(kernel)(*tuple(_d.values())))

</pallas_src>

<mosaic_0001>
#map = affine_map<(d0, d1) -> (0)>
#map1 = affine_map<(d0, d1) -> (0, 0)>
module attributes {stable_mosaic.version = 14 : i64} {
  func.func @k(%arg0: i32, %arg1: i32, %arg2: memref<204800xi32, #tpu.memory_space<hbm>>, %arg3: memref<204800xi32, #tpu.memory_space<hbm>>, %arg4: memref<100000x128xf32, #tpu.memory_space<hbm>>, %arg5: memref<1500x128xf32, #tpu.memory_space<hbm>>, %arg6: memref<204800x176xf32, #tpu.memory_space<hbm>>, %arg7: memref<128xi32, #tpu.memory_space<vmem>>, %arg8: memref<128xi32, #tpu.memory_space<vmem>>, %arg9: memref<128xi32, #tpu.memory_space<vmem>>, %arg10: memref<128xi32, #tpu.memory_space<vmem>>, %arg11: memref<128x128xf32, #tpu.memory_space<vmem>>, %arg12: memref<128x128xf32, #tpu.memory_space<vmem>>, %arg13: memref<128x176xf32, #tpu.memory_space<vmem>>, %arg14: memref<128x176xf32, #tpu.memory_space<vmem>>, %arg15: memref<!tpu.dma_semaphore, #tpu.memory_space<semaphore_mem>>, %arg16: memref<!tpu.dma_semaphore, #tpu.memory_space<semaphore_mem>>, %arg17: memref<!tpu.dma_semaphore, #tpu.memory_space<semaphore_mem>>, %arg18: memref<!tpu.dma_semaphore, #tpu.memory_space<semaphore_mem>>, %arg19: memref<!tpu.dma_semaphore, #tpu.memory_space<semaphore_mem>>, %arg20: memref<!tpu.dma_semaphore, #tpu.memory_space<semaphore_mem>>) attributes {dimension_semantics = [#tpu.dimension_semantics<core_parallel>, #tpu.dimension_semantics<subcore_parallel>], iteration_bounds = array<i64: 2, 16>, scalar_prefetch = 0 : i64, scratch_operands = 14 : i64, tpu.core_type = #tpu.core_type<sc_vector_subcore>, window_params = [{transform_indices = #map}, {transform_indices = #map}, {transform_indices = #map1}, {transform_indices = #map1}, {transform_indices = #map1}]} {
    %mul3A = arith.constant 2 : i32
    %mul3A_0 = arith.muli %arg1, %mul3A : i32
    %add3A = arith.addi %mul3A_0, %arg0 : i32
    %mul3A_1 = arith.constant 6400 : i32
    %mul3A_2 = arith.muli %add3A, %mul3A_1 : i32
    %add3A_3 = arith.constant 0 : i32
    %add3A_4 = arith.addi %mul3A_2, %add3A_3 : i32
    %dma_start3A = tpu.memref_slice %arg2[%add3A_4] : memref<204800xi32, #tpu.memory_space<hbm>> -> memref<128xi32, #tpu.memory_space<hbm>>
    %dma_start3A_5 = tpu.memref_slice %arg2[%add3A_4] : memref<204800xi32, #tpu.memory_space<hbm>> -> memref<128xi32, #tpu.memory_space<hbm>>
    tpu.enqueue_dma source(%dma_start3A_5 : memref<128xi32, #tpu.memory_space<hbm>>) target(%arg7 : memref<128xi32, #tpu.memory_space<vmem>>) target_semaphore(%arg17 : memref<!tpu.dma_semaphore, #tpu.memory_space<semaphore_mem>>)
    %dma_start3A_6 = tpu.memref_slice %arg3[%add3A_4] : memref<204800xi32, #tpu.memory_space<hbm>> -> memref<128xi32, #tpu.memory_space<hbm>>
    %dma_start3A_7 = tpu.memref_slice %arg3[%add3A_4] : memref<204800xi32, #tpu.memory_space<hbm>> -> memref<128xi32, #tpu.memory_space<hbm>>
    tpu.enqueue_dma source(%dma_start3A_7 : memref<128xi32, #tpu.memory_space<hbm>>) target(%arg9 : memref<128xi32, #tpu.memory_space<vmem>>) target_semaphore(%arg17 : memref<!tpu.dma_semaphore, #tpu.memory_space<semaphore_mem>>)
    %add3A_8 = arith.constant 128 : i32
    %add3A_9 = arith.addi %mul3A_2, %add3A_8 : i32
    %dma_start3A_10 = tpu.memref_slice %arg2[%add3A_9] : memref<204800xi32, #tpu.memory_space<hbm>> -> memref<128xi32, #tpu.memory_space<hbm>>
    %dma_start3A_11 = tpu.memref_slice %arg2[%add3A_9] : memref<204800xi32, #tpu.memory_space<hbm>> -> memref<128xi32, #tpu.memory_space<hbm>>
    tpu.enqueue_dma source(%dma_start3A_11 : memref<128xi32, #tpu.memory_space<hbm>>) target(%arg8 : memref<128xi32, #tpu.memory_space<vmem>>) target_semaphore(%arg18 : memref<!tpu.dma_semaphore, #tpu.memory_space<semaphore_mem>>)
    %dma_start3A_12 = tpu.memref_slice %arg3[%add3A_9] : memref<204800xi32, #tpu.memory_space<hbm>> -> memref<128xi32, #tpu.memory_space<hbm>>
    %dma_start3A_13 = tpu.memref_slice %arg3[%add3A_9] : memref<204800xi32, #tpu.memory_space<hbm>> -> memref<128xi32, #tpu.memory_space<hbm>>
    tpu.enqueue_dma source(%dma_start3A_13 : memref<128xi32, #tpu.memory_space<hbm>>) target(%arg10 : memref<128xi32, #tpu.memory_space<vmem>>) target_semaphore(%arg18 : memref<!tpu.dma_semaphore, #tpu.memory_space<semaphore_mem>>)
    %dma_wait3A = arith.constant 0 : i32
    %dma_wait3A_14 = tpu.memref_slice %arg2[%dma_wait3A] : memref<204800xi32, #tpu.memory_space<hbm>> -> memref<128xi32, #tpu.memory_space<hbm>>
    %dma_wait3A_15 = arith.constant 0 : i32
    %dma_wait3A_16 = tpu.memref_slice %arg2[%dma_wait3A_15] : memref<204800xi32, #tpu.memory_space<hbm>> -> memref<128xi32, #tpu.memory_space<hbm>>
    tpu.wait_dma2 semaphore(%arg17 : memref<!tpu.dma_semaphore, #tpu.memory_space<semaphore_mem>>) src(%dma_wait3A_16 : memref<128xi32, #tpu.memory_space<hbm>>) dst(%arg7 : memref<128xi32, #tpu.memory_space<vmem>>)
    %dma_wait3A_17 = arith.constant 0 : i32
    %dma_wait3A_18 = tpu.memref_slice %arg3[%dma_wait3A_17] : memref<204800xi32, #tpu.memory_space<hbm>> -> memref<128xi32, #tpu.memory_space<hbm>>
    %dma_wait3A_19 = arith.constant 0 : i32
    %dma_wait3A_20 = tpu.memref_slice %arg3[%dma_wait3A_19] : memref<204800xi32, #tpu.memory_space<hbm>> -> memref<128xi32, #tpu.memory_space<hbm>>
    tpu.wait_dma2 semaphore(%arg17 : memref<!tpu.dma_semaphore, #tpu.memory_space<semaphore_mem>>) src(%dma_wait3A_20 : memref<128xi32, #tpu.memory_space<hbm>>) dst(%arg9 : memref<128xi32, #tpu.memory_space<vmem>>)
    %dma_start3A_21 = arith.constant 0 : i32
    %dma_start3A_22 = arith.constant 0 : i32
    %dma_start3A_23 = tpu.memref_slice %arg13[%dma_start3A_21, %dma_start3A_22] : memref<128x176xf32, #tpu.memory_space<vmem>> -> memref<128x128xf32, #tpu.memory_space<vmem>>
    %dma_start3A_24 = arith.constant 0 : i32
    %dma_start3A_25 = arith.constant 0 : i32
    %dma_start3A_26 = tpu.memref_slice %arg4[%dma_start3A_24, %dma_start3A_25] : memref<100000x128xf32, #tpu.memory_space<hbm>> -> memref<100000x128xf32, #tpu.memory_space<hbm>>
    tpu.enqueue_indirect_dma source(%dma_start3A_26 : memref<100000x128xf32, #tpu.memory_space<hbm>>) target(%dma_start3A_23 : memref<128x128xf32, #tpu.memory_space<vmem>>) offsets(%arg7 : memref<128xi32, #tpu.memory_space<vmem>>) semaphore(%arg15 : memref<!tpu.dma_semaphore, #tpu.memory_space<semaphore_mem>>)
    %dma_start3A_27 = arith.constant 0 : i32
    %dma_start3A_28 = arith.constant 0 : i32
    %dma_start3A_29 = tpu.memref_slice %arg5[%dma_start3A_27, %dma_start3A_28] : memref<1500x128xf32, #tpu.memory_space<hbm>> -> memref<1500x128xf32, #tpu.memory_space<hbm>>
    tpu.enqueue_indirect_dma source(%dma_start3A_29 : memref<1500x128xf32, #tpu.memory_space<hbm>>) target(%arg11 : memref<128x128xf32, #tpu.memory_space<vmem>>) offsets(%arg9 : memref<128xi32, #tpu.memory_space<vmem>>) semaphore(%arg15 : memref<!tpu.dma_semaphore, #tpu.memory_space<semaphore_mem>>)
    %dma_wait3A_30 = arith.constant 0 : i32
    %dma_wait3A_31 = tpu.memref_slice %arg2[%dma_wait3A_30] : memref<204800xi32, #tpu.memory_space<hbm>> -> memref<128xi32, #tpu.memory_space<hbm>>
    %dma_wait3A_32 = arith.constant 0 : i32
    %dma_wait3A_33 = tpu.memref_slice %arg2[%dma_wait3A_32] : memref<204800xi32, #tpu.memory_space<hbm>> -> memref<128xi32, #tpu.memory_space<hbm>>
    tpu.wait_dma2 semaphore(%arg18 : memref<!tpu.dma_semaphore, #tpu.memory_space<semaphore_mem>>) src(%dma_wait3A_33 : memref<128xi32, #tpu.memory_space<hbm>>) dst(%arg8 : memref<128xi32, #tpu.memory_space<vmem>>)
    %dma_wait3A_34 = arith.constant 0 : i32
    %dma_wait3A_35 = tpu.memref_slice %arg3[%dma_wait3A_34] : memref<204800xi32, #tpu.memory_space<hbm>> -> memref<128xi32, #tpu.memory_space<hbm>>
    %dma_wait3A_36 = arith.constant 0 : i32
    %dma_wait3A_37 = tpu.memref_slice %arg3[%dma_wait3A_36] : memref<204800xi32, #tpu.memory_space<hbm>> -> memref<128xi32, #tpu.memory_space<hbm>>
    tpu.wait_dma2 semaphore(%arg18 : memref<!tpu.dma_semaphore, #tpu.memory_space<semaphore_mem>>) src(%dma_wait3A_37 : memref<128xi32, #tpu.memory_space<hbm>>) dst(%arg10 : memref<128xi32, #tpu.memory_space<vmem>>)
    %dma_start3A_38 = arith.constant 0 : i32
    %dma_start3A_39 = arith.constant 0 : i32
    %dma_start3A_40 = tpu.memref_slice %arg14[%dma_start3A_38, %dma_start3A_39] : memref<128x176xf32, #tpu.memory_space<vmem>> -> memref<128x128xf32, #tpu.memory_space<vmem>>
    %dma_start3A_41 = arith.constant 0 : i32
    %dma_start3A_42 = arith.constant 0 : i32
    %dma_start3A_43 = tpu.memref_slice %arg4[%dma_start3A_41, %dma_start3A_42] : memref<100000x128xf32, #tpu.memory_space<hbm>> -> memref<100000x128xf32, #tpu.memory_space<hbm>>
    tpu.enqueue_indirect_dma source(%dma_start3A_43 : memref<100000x128xf32, #tpu.memory_space<hbm>>) target(%dma_start3A_40 : memref<128x128xf32, #tpu.memory_space<vmem>>) offsets(%arg8 : memref<128xi32, #tpu.memory_space<vmem>>) semaphore(%arg16 : memref<!tpu.dma_semaphore, #tpu.memory_space<semaphore_mem>>)
    %dma_start3A_44 = arith.constant 0 : i32
    %dma_start3A_45 = arith.constant 0 : i32
    %dma_start3A_46 = tpu.memref_slice %arg5[%dma_start3A_44, %dma_start3A_45] : memref<1500x128xf32, #tpu.memory_space<hbm>> -> memref<1500x128xf32, #tpu.memory_space<hbm>>
    tpu.enqueue_indirect_dma source(%dma_start3A_46 : memref<1500x128xf32, #tpu.memory_space<hbm>>) target(%arg12 : memref<128x128xf32, #tpu.memory_space<vmem>>) offsets(%arg10 : memref<128xi32, #tpu.memory_space<vmem>>) semaphore(%arg16 : memref<!tpu.dma_semaphore, #tpu.memory_space<semaphore_mem>>)
    %dma_wait3A_47 = arith.constant 0 : i32
    %dma_wait3A_48 = arith.constant 0 : i32
    %dma_wait3A_49 = tpu.memref_slice %arg13[%dma_wait3A_47, %dma_wait3A_48] : memref<128x176xf32, #tpu.memory_space<vmem>> -> memref<128x128xf32, #tpu.memory_space<vmem>>
    %dma_wait3A_50 = arith.constant 0 : i32
    %dma_wait3A_51 = arith.constant 0 : i32
    %dma_wait3A_52 = tpu.memref_slice %arg4[%dma_wait3A_50, %dma_wait3A_51] : memref<100000x128xf32, #tpu.memory_space<hbm>> -> memref<128x128xf32, #tpu.memory_space<hbm>>
    %dma_wait3A_53 = arith.constant 0 : i32
    %dma_wait3A_54 = arith.constant 0 : i32
    %dma_wait3A_55 = tpu.memref_slice %arg13[%dma_wait3A_53, %dma_wait3A_54] : memref<128x176xf32, #tpu.memory_space<vmem>> -> memref<128x128xf32, #tpu.memory_space<vmem>>
    %dma_wait3A_56 = arith.constant 0 : i32
    %dma_wait3A_57 = arith.constant 0 : i32
    %dma_wait3A_58 = tpu.memref_slice %arg4[%dma_wait3A_56, %dma_wait3A_57] : memref<100000x128xf32, #tpu.memory_space<hbm>> -> memref<128x128xf32, #tpu.memory_space<hbm>>
    tpu.wait_dma2 semaphore(%arg15 : memref<!tpu.dma_semaphore, #tpu.memory_space<semaphore_mem>>) src(%dma_wait3A_58 : memref<128x128xf32, #tpu.memory_space<hbm>>) dst(%dma_wait3A_55 : memref<128x128xf32, #tpu.memory_space<vmem>>)
    %dma_wait3A_59 = arith.constant 0 : i32
    %dma_wait3A_60 = arith.constant 0 : i32
    %dma_wait3A_61 = tpu.memref_slice %arg5[%dma_wait3A_59, %dma_wait3A_60] : memref<1500x128xf32, #tpu.memory_space<hbm>> -> memref<128x128xf32, #tpu.memory_space<hbm>>
    %dma_wait3A_62 = arith.constant 0 : i32
    %dma_wait3A_63 = arith.constant 0 : i32
    %dma_wait3A_64 = tpu.memref_slice %arg5[%dma_wait3A_62, %dma_wait3A_63] : memref<1500x128xf32, #tpu.memory_space<hbm>> -> memref<128x128xf32, #tpu.memory_space<hbm>>
    tpu.wait_dma2 semaphore(%arg15 : memref<!tpu.dma_semaphore, #tpu.memory_space<semaphore_mem>>) src(%dma_wait3A_64 : memref<128x128xf32, #tpu.memory_space<hbm>>) dst(%arg11 : memref<128x128xf32, #tpu.memory_space<vmem>>)
    %scan3A = arith.constant 0 : i32
    %scan3A_65 = arith.constant 0 : i32
    %scan3A_66 = arith.constant 128 : i32
    %scan3A_67 = arith.addi %scan3A_65, %scan3A_66 : i32
    %scan3A_68 = arith.constant 1 : i32
    scf.for %scan3A_242 = %scan3A_65 to %scan3A_67 step %scan3A_68  : i32 {
      %get3A = arith.constant 0 : i32
      %get3A_243 = tpu.memref_slice %arg11[%scan3A_242, %get3A] : memref<128x128xf32, #tpu.memory_space<vmem>> -> memref<1x128xf32, #tpu.memory_space<vmem>>
      %get3A_244 = tpu.memref_squeeze %get3A_243 : memref<1x128xf32, #tpu.memory_space<vmem>> -> memref<128xf32, #tpu.memory_space<vmem>>
      %get3A_245 = arith.constant 0 : index
      %get3A_246 = tpu.vector_load %get3A_244[%get3A_245] {strides = array<i32>} : memref<128xf32, #tpu.memory_space<vmem>>, vector<16xf32>,
      %get3A_247 = vector.shape_cast %get3A_246 : vector<16xf32> to vector<16xf32>
      %swap3A = arith.constant 0 : i32
      %swap3A_248 = tpu.memref_slice %arg13[%scan3A_242, %swap3A] : memref<128x176xf32, #tpu.memory_space<vmem>> -> memref<1x176xf32, #tpu.memory_space<vmem>>
      %swap3A_249 = tpu.memref_squeeze %swap3A_248 : memref<1x176xf32, #tpu.memory_space<vmem>> -> memref<176xf32, #tpu.memory_space<vmem>>
      %swap3A_250 = arith.constant 128 : index
      %swap3A_251 = tpu.vector_load %swap3A_249[%swap3A_250] {strides = array<i32>} : memref<176xf32, #tpu.memory_space<vmem>>, vector<16xf32>,
      %swap3A_252 = vector.shape_cast %swap3A_251 : vector<16xf32> to vector<16xf32>
      %swap3A_253 = vector.shape_cast %get3A_247 : vector<16xf32> to vector<16xf32>
      tpu.vector_store %swap3A_249[%swap3A_250], %swap3A_253 {strides = array<i32>} : memref<176xf32, #tpu.memory_space<vmem>>, vector<16xf32>,
      %get3A_254 = arith.constant 0 : i32
      %get3A_255 = tpu.memref_slice %arg11[%scan3A_242, %get3A_254] : memref<128x128xf32, #tpu.memory_space<vmem>> -> memref<1x128xf32, #tpu.memory_space<vmem>>
      %get3A_256 = tpu.memref_squeeze %get3A_255 : memref<1x128xf32, #tpu.memory_space<vmem>> -> memref<128xf32, #tpu.memory_space<vmem>>
      %get3A_257 = arith.constant 16 : index
      %get3A_258 = tpu.vector_load %get3A_256[%get3A_257] {strides = array<i32>} : memref<128xf32, #tpu.memory_space<vmem>>, vector<16xf32>,
      %get3A_259 = vector.shape_cast %get3A_258 : vector<16xf32> to vector<16xf32>
      %swap3A_260 = arith.constant 0 : i32
      %swap3A_261 = tpu.memref_slice %arg13[%scan3A_242, %swap3A_260] : memref<128x176xf32, #tpu.memory_space<vmem>> -> memref<1x176xf32, #tpu.memory_space<vmem>>
      %swap3A_262 = tpu.memref_squeeze %swap3A_261 : memref<1x176xf32, #tpu.memory_space<vmem>> -> memref<176xf32, #tpu.memory_space<vmem>>
      %swap3A_263 = arith.constant 144 : index
      %swap3A_264 = tpu.vector_load %swap3A_262[%swap3A_263] {strides = array<i32>} : memref<176xf32, #tpu.memory_space<vmem>>, vector<16xf32>,
      %swap3A_265 = vector.shape_cast %swap3A_264 : vector<16xf32> to vector<16xf32>
      %swap3A_266 = vector.shape_cast %get3A_259 : vector<16xf32> to vector<16xf32>
      tpu.vector_store %swap3A_262[%swap3A_263], %swap3A_266 {strides = array<i32>} : memref<176xf32, #tpu.memory_space<vmem>>, vector<16xf32>,
      %get3A_267 = arith.constant 0 : i32
      %get3A_268 = tpu.memref_slice %arg11[%scan3A_242, %get3A_267] : memref<128x128xf32, #tpu.memory_space<vmem>> -> memref<1x128xf32, #tpu.memory_space<vmem>>
      %get3A_269 = tpu.memref_squeeze %get3A_268 : memref<1x128xf32, #tpu.memory_space<vmem>> -> memref<128xf32, #tpu.memory_space<vmem>>
      %get3A_270 = arith.constant 32 : index
      %get3A_271 = tpu.vector_load %get3A_269[%get3A_270] {strides = array<i32>} : memref<128xf32, #tpu.memory_space<vmem>>, vector<16xf32>,
      %get3A_272 = vector.shape_cast %get3A_271 : vector<16xf32> to vector<16xf32>
      %swap3A_273 = arith.constant 0 : i32
      %swap3A_274 = tpu.memref_slice %arg13[%scan3A_242, %swap3A_273] : memref<128x176xf32, #tpu.memory_space<vmem>> -> memref<1x176xf32, #tpu.memory_space<vmem>>
      %swap3A_275 = tpu.memref_squeeze %swap3A_274 : memref<1x176xf32, #tpu.memory_space<vmem>> -> memref<176xf32, #tpu.memory_space<vmem>>
      %swap3A_276 = arith.constant 160 : index
      %swap3A_277 = tpu.vector_load %swap3A_275[%swap3A_276] {strides = array<i32>} : memref<176xf32, #tpu.memory_space<vmem>>, vector<16xf32>,
      %swap3A_278 = vector.shape_cast %swap3A_277 : vector<16xf32> to vector<16xf32>
      %swap3A_279 = vector.shape_cast %get3A_272 : vector<16xf32> to vector<16xf32>
      tpu.vector_store %swap3A_275[%swap3A_276], %swap3A_279 {strides = array<i32>} : memref<176xf32, #tpu.memory_space<vmem>>, vector<16xf32>,
    }
    %scan3A_69 = arith.constant 128 : i32
    %add3A_70 = arith.constant 0 : i32
    %add3A_71 = arith.addi %mul3A_2, %add3A_70 : i32
    %dma_start3A_72 = arith.constant 0 : i32
    %dma_start3A_73 = tpu.memref_slice %arg6[%add3A_71, %dma_start3A_72] : memref<204800x176xf32, #tpu.memory_space<hbm>> -> memref<128x176xf32, #tpu.memory_space<hbm>>
    %dma_start3A_74 = arith.constant 0 : i32
    %dma_start3A_75 = tpu.memref_slice %arg6[%add3A_71, %dma_start3A_74] : memref<204800x176xf32, #tpu.memory_space<hbm>> -> memref<128x176xf32, #tpu.memory_space<hbm>>
    tpu.enqueue_dma source(%arg13 : memref<128x176xf32, #tpu.memory_space<vmem>>) target(%dma_start3A_75 : memref<128x176xf32, #tpu.memory_space<hbm>>) target_semaphore(%arg19 : memref<!tpu.dma_semaphore, #tpu.memory_space<semaphore_mem>>)
    %add3A_76 = arith.constant 256 : i32
    %add3A_77 = arith.addi %mul3A_2, %add3A_76 : i32
    %dma_start3A_78 = tpu.memref_slice %arg2[%add3A_77] : memref<204800xi32, #tpu.memory_space<hbm>> -> memref<128xi32, #tpu.memory_space<hbm>>
    %dma_start3A_79 = tpu.memref_slice %arg2[%add3A_77] : memref<204800xi32, #tpu.memory_space<hbm>> -> memref<128xi32, #tpu.memory_space<hbm>>
    tpu.enqueue_dma source(%dma_start3A_79 : memref<128xi32, #tpu.memory_space<hbm>>) target(%arg7 : memref<128xi32, #tpu.memory_space<vmem>>) target_semaphore(%arg17 : memref<!tpu.dma_semaphore, #tpu.memory_space<semaphore_mem>>)
    %dma_start3A_80 = tpu.memref_slice %arg3[%add3A_77] : memref<204800xi32, #tpu.memory_space<hbm>> -> memref<128xi32, #tpu.memory_space<hbm>>
    %dma_start3A_81 = tpu.memref_slice %arg3[%add3A_77] : memref<204800xi32, #tpu.memory_space<hbm>> -> memref<128xi32, #tpu.memory_space<hbm>>
    tpu.enqueue_dma source(%dma_start3A_81 : memref<128xi32, #tpu.memory_space<hbm>>) target(%arg9 : memref<128xi32, #tpu.memory_space<vmem>>) target_semaphore(%arg17 : memref<!tpu.dma_semaphore, #tpu.memory_space<semaphore_mem>>)
    %scan3A_82 = arith.constant 0 : i32
    %scan3A_83 = arith.constant 0 : i32
    %scan3A_84 = arith.constant 23 : i32
    %scan3A_85 = arith.addi %scan3A_83, %scan3A_84 : i32
    %scan3A_86 = arith.constant 1 : i32
    scf.for %scan3A_242 = %scan3A_83 to %scan3A_85 step %scan3A_86  : i32 {
      %mul3A_243 = arith.constant 2 : i32
      %mul3A_244 = arith.muli %mul3A_243, %scan3A_242 : i32
      %add3A_245 = arith.constant 1 : i32
      %add3A_246 = arith.addi %mul3A_244, %add3A_245 : i32
      %dma_wait3A_247 = arith.constant 0 : i32
      %dma_wait3A_248 = tpu.memref_slice %arg2[%dma_wait3A_247] : memref<204800xi32, #tpu.memory_space<hbm>> -> memref<128xi32, #tpu.memory_space<hbm>>
      %dma_wait3A_249 = arith.constant 0 : i32
      %dma_wait3A_250 = tpu.memref_slice %arg2[%dma_wait3A_249] : memref<204800xi32, #tpu.memory_space<hbm>> -> memref<128xi32, #tpu.memory_space<hbm>>
      tpu.wait_dma2 semaphore(%arg17 : memref<!tpu.dma_semaphore, #tpu.memory_space<semaphore_mem>>) src(%dma_wait3A_250 : memref<128xi32, #tpu.memory_space<hbm>>) dst(%arg7 : memref<128xi32, #tpu.memory_space<vmem>>)
      %dma_wait3A_251 = arith.constant 0 : i32
      %dma_wait3A_252 = tpu.memref_slice %arg3[%dma_wait3A_251] : memref<204800xi32, #tpu.memory_space<hbm>> -> memref<128xi32, #tpu.memory_space<hbm>>
      %dma_wait3A_253 = arith.constant 0 : i32
      %dma_wait3A_254 = tpu.memref_slice %arg3[%dma_wait3A_253] : memref<204800xi32, #tpu.memory_space<hbm>> -> memref<128xi32, #tpu.memory_space<hbm>>
      tpu.wait_dma2 semaphore(%arg17 : memref<!tpu.dma_semaphore, #tpu.memory_space<semaphore_mem>>) src(%dma_wait3A_254 : memref<128xi32, #tpu.memory_space<hbm>>) dst(%arg9 : memref<128xi32, #tpu.memory_space<vmem>>)
      %dma_wait3A_255 = arith.constant 0 : i32
      %dma_wait3A_256 = arith.constant 0 : i32
      %dma_wait3A_257 = tpu.memref_slice %arg6[%dma_wait3A_255, %dma_wait3A_256] : memref<204800x176xf32, #tpu.memory_space<hbm>> -> memref<128x176xf32, #tpu.memory_space<hbm>>
      %dma_wait3A_258 = arith.constant 0 : i32
      %dma_wait3A_259 = arith.constant 0 : i32
      %dma_wait3A_260 = tpu.memref_slice %arg6[%dma_wait3A_258, %dma_wait3A_259] : memref<204800x176xf32, #tpu.memory_space<hbm>> -> memref<128x176xf32, #tpu.memory_space<hbm>>
      tpu.wait_dma2 semaphore(%arg19 : memref<!tpu.dma_semaphore, #tpu.memory_space<semaphore_mem>>) src(%arg13 : memref<128x176xf32, #tpu.memory_space<vmem>>) dst(%dma_wait3A_260 : memref<128x176xf32, #tpu.memory_space<hbm>>)
      %dma_start3A_261 = arith.constant 0 : i32
      %dma_start3A_262 = arith.constant 0 : i32
      %dma_start3A_263 = tpu.memref_slice %arg13[%dma_start3A_261, %dma_start3A_262] : memref<128x176xf32, #tpu.memory_space<vmem>> -> memref<128x128xf32, #tpu.memory_space<vmem>>
      %dma_start3A_264 = arith.constant 0 : i32
      %dma_start3A_265 = arith.constant 0 : i32
      %dma_start3A_266 = tpu.memref_slice %arg4[%dma_start3A_264, %dma_start3A_265] : memref<100000x128xf32, #tpu.memory_space<hbm>> -> memref<100000x128xf32, #tpu.memory_space<hbm>>
      tpu.enqueue_indirect_dma source(%dma_start3A_266 : memref<100000x128xf32, #tpu.memory_space<hbm>>) target(%dma_start3A_263 : memref<128x128xf32, #tpu.memory_space<vmem>>) offsets(%arg7 : memref<128xi32, #tpu.memory_space<vmem>>) semaphore(%arg15 : memref<!tpu.dma_semaphore, #tpu.memory_space<semaphore_mem>>)
      %dma_start3A_267 = arith.constant 0 : i32
      %dma_start3A_268 = arith.constant 0 : i32
      %dma_start3A_269 = tpu.memref_slice %arg5[%dma_start3A_267, %dma_start3A_268] : memref<1500x128xf32, #tpu.memory_space<hbm>> -> memref<1500x128xf32, #tpu.memory_space<hbm>>
      tpu.enqueue_indirect_dma source(%dma_start3A_269 : memref<1500x128xf32, #tpu.memory_space<hbm>>) target(%arg11 : memref<128x128xf32, #tpu.memory_space<vmem>>) offsets(%arg9 : memref<128xi32, #tpu.memory_space<vmem>>) semaphore(%arg15 : memref<!tpu.dma_semaphore, #tpu.memory_space<semaphore_mem>>)
      %dma_wait3A_270 = arith.constant 0 : i32
      %dma_wait3A_271 = arith.constant 0 : i32
      %dma_wait3A_272 = tpu.memref_slice %arg14[%dma_wait3A_270, %dma_wait3A_271] : memref<128x176xf32, #tpu.memory_space<vmem>> -> memref<128x128xf32, #tpu.memory_space<vmem>>
      %dma_wait3A_273 = arith.constant 0 : i32
      %dma_wait3A_274 = arith.constant 0 : i32
      %dma_wait3A_275 = tpu.memref_slice %arg4[%dma_wait3A_273, %dma_wait3A_274] : memref<100000x128xf32, #tpu.memory_space<hbm>> -> memref<128x128xf32, #tpu.memory_space<hbm>>
      %dma_wait3A_276 = arith.constant 0 : i32
      %dma_wait3A_277 = arith.constant 0 : i32
      %dma_wait3A_278 = tpu.memref_slice %arg14[%dma_wait3A_276, %dma_wait3A_277] : memref<128x176xf32, #tpu.memory_space<vmem>> -> memref<128x128xf32, #tpu.memory_space<vmem>>
      %dma_wait3A_279 = arith.constant 0 : i32
      %dma_wait3A_280 = arith.constant 0 : i32
      %dma_wait3A_281 = tpu.memref_slice %arg4[%dma_wait3A_279, %dma_wait3A_280] : memref<100000x128xf32, #tpu.memory_space<hbm>> -> memref<128x128xf32, #tpu.memory_space<hbm>>
      tpu.wait_dma2 semaphore(%arg16 : memref<!tpu.dma_semaphore, #tpu.memory_space<semaphore_mem>>) src(%dma_wait3A_281 : memref<128x128xf32, #tpu.memory_space<hbm>>) dst(%dma_wait3A_278 : memref<128x128xf32, #tpu.memory_space<vmem>>)
      %dma_wait3A_282 = arith.constant 0 : i32
      %dma_wait3A_283 = arith.constant 0 : i32
      %dma_wait3A_284 = tpu.memref_slice %arg5[%dma_wait3A_282, %dma_wait3A_283] : memref<1500x128xf32, #tpu.memory_space<hbm>> -> memref<128x128xf32, #tpu.memory_space<hbm>>
      %dma_wait3A_285 = arith.constant 0 : i32
      %dma_wait3A_286 = arith.constant 0 : i32
      %dma_wait3A_287 = tpu.memref_slice %arg5[%dma_wait3A_285, %dma_wait3A_286] : memref<1500x128xf32, #tpu.memory_space<hbm>> -> memref<128x128xf32, #tpu.memory_space<hbm>>
      tpu.wait_dma2 semaphore(%arg16 : memref<!tpu.dma_semaphore, #tpu.memory_space<semaphore_mem>>) src(%dma_wait3A_287 : memref<128x128xf32, #tpu.memory_space<hbm>>) dst(%arg12 : memref<128x128xf32, #tpu.memory_space<vmem>>)
      %scan3A_288 = arith.constant 0 : i32
      %scan3A_289 = arith.constant 0 : i32
      %scan3A_290 = arith.constant 128 : i32
      %scan3A_291 = arith.addi %scan3A_289, %scan3A_290 : i32
      %scan3A_292 = arith.constant 1 : i32
      scf.for %scan3A_375 = %scan3A_289 to %scan3A_291 step %scan3A_292  : i32 {
        %get3A = arith.constant 0 : i32
        %get3A_376 = tpu.memref_slice %arg12[%scan3A_375, %get3A] : memref<128x128xf32, #tpu.memory_space<vmem>> -> memref<1x128xf32, #tpu.memory_space<vmem>>
        %get3A_377 = tpu.memref_squeeze %get3A_376 : memref<1x128xf32, #tpu.memory_space<vmem>> -> memref<128xf32, #tpu.memory_space<vmem>>
        %get3A_378 = arith.constant 0 : index
        %get3A_379 = tpu.vector_load %get3A_377[%get3A_378] {strides = array<i32>} : memref<128xf32, #tpu.memory_space<vmem>>, vector<16xf32>,
        %get3A_380 = vector.shape_cast %get3A_379 : vector<16xf32> to vector<16xf32>
        %swap3A = arith.constant 0 : i32
        %swap3A_381 = tpu.memref_slice %arg14[%scan3A_375, %swap3A] : memref<128x176xf32, #tpu.memory_space<vmem>> -> memref<1x176xf32, #tpu.memory_space<vmem>>
        %swap3A_382 = tpu.memref_squeeze %swap3A_381 : memref<1x176xf32, #tpu.memory_space<vmem>> -> memref<176xf32, #tpu.memory_space<vmem>>
        %swap3A_383 = arith.constant 128 : index
        %swap3A_384 = tpu.vector_load %swap3A_382[%swap3A_383] {strides = array<i32>} : memref<176xf32, #tpu.memory_space<vmem>>, vector<16xf32>,
        %swap3A_385 = vector.shape_cast %swap3A_384 : vector<16xf32> to vector<16xf32>
        %swap3A_386 = vector.shape_cast %get3A_380 : vector<16xf32> to vector<16xf32>
        tpu.vector_store %swap3A_382[%swap3A_383], %swap3A_386 {strides = array<i32>} : memref<176xf32, #tpu.memory_space<vmem>>, vector<16xf32>,
        %get3A_387 = arith.constant 0 : i32
        %get3A_388 = tpu.memref_slice %arg12[%scan3A_375, %get3A_387] : memref<128x128xf32, #tpu.memory_space<vmem>> -> memref<1x128xf32, #tpu.memory_space<vmem>>
        %get3A_389 = tpu.memref_squeeze %get3A_388 : memref<1x128xf32, #tpu.memory_space<vmem>> -> memref<128xf32, #tpu.memory_space<vmem>>
        %get3A_390 = arith.constant 16 : index
        %get3A_391 = tpu.vector_load %get3A_389[%get3A_390] {strides = array<i32>} : memref<128xf32, #tpu.memory_space<vmem>>, vector<16xf32>,
        %get3A_392 = vector.shape_cast %get3A_391 : vector<16xf32> to vector<16xf32>
        %swap3A_393 = arith.constant 0 : i32
        %swap3A_394 = tpu.memref_slice %arg14[%scan3A_375, %swap3A_393] : memref<128x176xf32, #tpu.memory_space<vmem>> -> memref<1x176xf32, #tpu.memory_space<vmem>>
        %swap3A_395 = tpu.memref_squeeze %swap3A_394 : memref<1x176xf32, #tpu.memory_space<vmem>> -> memref<176xf32, #tpu.memory_space<vmem>>
        %swap3A_396 = arith.constant 144 : index
        %swap3A_397 = tpu.vector_load %swap3A_395[%swap3A_396] {strides = array<i32>} : memref<176xf32, #tpu.memory_space<vmem>>, vector<16xf32>,
        %swap3A_398 = vector.shape_cast %swap3A_397 : vector<16xf32> to vector<16xf32>
        %swap3A_399 = vector.shape_cast %get3A_392 : vector<16xf32> to vector<16xf32>
        tpu.vector_store %swap3A_395[%swap3A_396], %swap3A_399 {strides = array<i32>} : memref<176xf32, #tpu.memory_space<vmem>>, vector<16xf32>,
        %get3A_400 = arith.constant 0 : i32
        %get3A_401 = tpu.memref_slice %arg12[%scan3A_375, %get3A_400] : memref<128x128xf32, #tpu.memory_space<vmem>> -> memref<1x128xf32, #tpu.memory_space<vmem>>
        %get3A_402 = tpu.memref_squeeze %get3A_401 : memref<1x128xf32, #tpu.memory_space<vmem>> -> memref<128xf32, #tpu.memory_space<vmem>>
        %get3A_403 = arith.constant 32 : index
        %get3A_404 = tpu.vector_load %get3A_402[%get3A_403] {strides = array<i32>} : memref<128xf32, #tpu.memory_space<vmem>>, vector<16xf32>,
        %get3A_405 = vector.shape_cast %get3A_404 : vector<16xf32> to vector<16xf32>
        %swap3A_406 = arith.constant 0 : i32
        %swap3A_407 = tpu.memref_slice %arg14[%scan3A_375, %swap3A_406] : memref<128x176xf32, #tpu.memory_space<vmem>> -> memref<1x176xf32, #tpu.memory_space<vmem>>
        %swap3A_408 = tpu.memref_squeeze %swap3A_407 : memref<1x176xf32, #tpu.memory_space<vmem>> -> memref<176xf32, #tpu.memory_space<vmem>>
        %swap3A_409 = arith.constant 160 : index
        %swap3A_410 = tpu.vector_load %swap3A_408[%swap3A_409] {strides = array<i32>} : memref<176xf32, #tpu.memory_space<vmem>>, vector<16xf32>,
        %swap3A_411 = vector.shape_cast %swap3A_410 : vector<16xf32> to vector<16xf32>
        %swap3A_412 = vector.shape_cast %get3A_405 : vector<16xf32> to vector<16xf32>
        tpu.vector_store %swap3A_408[%swap3A_409], %swap3A_412 {strides = array<i32>} : memref<176xf32, #tpu.memory_space<vmem>>, vector<16xf32>,
      }
      %scan3A_293 = arith.constant 128 : i32
      %mul3A_294 = arith.constant 128 : i32
      %mul3A_295 = arith.muli %add3A_246, %mul3A_294 : i32
      %add3A_296 = arith.addi %mul3A_2, %mul3A_295 : i32
      %dma_start3A_297 = arith.constant 0 : i32
      %dma_start3A_298 = tpu.memref_slice %arg6[%add3A_296, %dma_start3A_297] : memref<204800x176xf32, #tpu.memory_space<hbm>> -> memref<128x176xf32, #tpu.memory_space<hbm>>
      %dma_start3A_299 = arith.constant 0 : i32
      %dma_start3A_300 = tpu.memref_slice %arg6[%add3A_296, %dma_start3A_299] : memref<204800x176xf32, #tpu.memory_space<hbm>> -> memref<128x176xf32, #tpu.memory_space<hbm>>
      tpu.enqueue_dma source(%arg14 : memref<128x176xf32, #tpu.memory_space<vmem>>) target(%dma_start3A_300 : memref<128x176xf32, #tpu.memory_space<hbm>>) target_semaphore(%arg20 : memref<!tpu.dma_semaphore, #tpu.memory_space<semaphore_mem>>)
      %add3A_301 = arith.constant 2 : i32
      %add3A_302 = arith.addi %add3A_246, %add3A_301 : i32
      %mul3A_303 = arith.constant 128 : i32
      %mul3A_304 = arith.muli %add3A_302, %mul3A_303 : i32
      %add3A_305 = arith.addi %mul3A_2, %mul3A_304 : i32
      %dma_start3A_306 = tpu.memref_slice %arg2[%add3A_305] : memref<204800xi32, #tpu.memory_space<hbm>> -> memref<128xi32, #tpu.memory_space<hbm>>
      %dma_start3A_307 = tpu.memref_slice %arg2[%add3A_305] : memref<204800xi32, #tpu.memory_space<hbm>> -> memref<128xi32, #tpu.memory_space<hbm>>
      tpu.enqueue_dma source(%dma_start3A_307 : memref<128xi32, #tpu.memory_space<hbm>>) target(%arg8 : memref<128xi32, #tpu.memory_space<vmem>>) target_semaphore(%arg18 : memref<!tpu.dma_semaphore, #tpu.memory_space<semaphore_mem>>)
      %dma_start3A_308 = tpu.memref_slice %arg3[%add3A_305] : memref<204800xi32, #tpu.memory_space<hbm>> -> memref<128xi32, #tpu.memory_space<hbm>>
      %dma_start3A_309 = tpu.memref_slice %arg3[%add3A_305] : memref<204800xi32, #tpu.memory_space<hbm>> -> memref<128xi32, #tpu.memory_space<hbm>>
      tpu.enqueue_dma source(%dma_start3A_309 : memref<128xi32, #tpu.memory_space<hbm>>) target(%arg10 : memref<128xi32, #tpu.memory_space<vmem>>) target_semaphore(%arg18 : memref<!tpu.dma_semaphore, #tpu.memory_space<semaphore_mem>>)
      %add3A_310 = arith.constant 1 : i32
      %add3A_311 = arith.addi %add3A_246, %add3A_310 : i32
      %dma_wait3A_312 = arith.constant 0 : i32
      %dma_wait3A_313 = tpu.memref_slice %arg2[%dma_wait3A_312] : memref<204800xi32, #tpu.memory_space<hbm>> -> memref<128xi32, #tpu.memory_space<hbm>>
      %dma_wait3A_314 = arith.constant 0 : i32
      %dma_wait3A_315 = tpu.memref_slice %arg2[%dma_wait3A_314] : memref<204800xi32, #tpu.memory_space<hbm>> -> memref<128xi32, #tpu.memory_space<hbm>>
      tpu.wait_dma2 semaphore(%arg18 : memref<!tpu.dma_semaphore, #tpu.memory_space<semaphore_mem>>) src(%dma_wait3A_315 : memref<128xi32, #tpu.memory_space<hbm>>) dst(%arg8 : memref<128xi32, #tpu.memory_space<vmem>>)
      %dma_wait3A_316 = arith.constant 0 : i32
      %dma_wait3A_317 = tpu.memref_slice %arg3[%dma_wait3A_316] : memref<204800xi32, #tpu.memory_space<hbm>> -> memref<128xi32, #tpu.memory_space<hbm>>
      %dma_wait3A_318 = arith.constant 0 : i32
      %dma_wait3A_319 = tpu.memref_slice %arg3[%dma_wait3A_318] : memref<204800xi32, #tpu.memory_space<hbm>> -> memref<128xi32, #tpu.memory_space<hbm>>
      tpu.wait_dma2 semaphore(%arg18 : memref<!tpu.dma_semaphore, #tpu.memory_space<semaphore_mem>>) src(%dma_wait3A_319 : memref<128xi32, #tpu.memory_space<hbm>>) dst(%arg10 : memref<128xi32, #tpu.memory_space<vmem>>)
      %dma_wait3A_320 = arith.constant 0 : i32
      %dma_wait3A_321 = arith.constant 0 : i32
      %dma_wait3A_322 = tpu.memref_slice %arg6[%dma_wait3A_320, %dma_wait3A_321] : memref<204800x176xf32, #tpu.memory_space<hbm>> -> memref<128x176xf32, #tpu.memory_space<hbm>>
      %dma_wait3A_323 = arith.constant 0 : i32
      %dma_wait3A_324 = arith.constant 0 : i32
      %dma_wait3A_325 = tpu.memref_slice %arg6[%dma_wait3A_323, %dma_wait3A_324] : memref<204800x176xf32, #tpu.memory_space<hbm>> -> memref<128x176xf32, #tpu.memory_space<hbm>>
      tpu.wait_dma2 semaphore(%arg20 : memref<!tpu.dma_semaphore, #tpu.memory_space<semaphore_mem>>) src(%arg14 : memref<128x176xf32, #tpu.memory_space<vmem>>) dst(%dma_wait3A_325 : memref<128x176xf32, #tpu.memory_space<hbm>>)
      %dma_start3A_326 = arith.constant 0 : i32
      %dma_start3A_327 = arith.constant 0 : i32
      %dma_start3A_328 = tpu.memref_slice %arg14[%dma_start3A_326, %dma_start3A_327] : memref<128x176xf32, #tpu.memory_space<vmem>> -> memref<128x128xf32, #tpu.memory_space<vmem>>
      %dma_start3A_329 = arith.constant 0 : i32
      %dma_start3A_330 = arith.constant 0 : i32
      %dma_start3A_331 = tpu.memref_slice %arg4[%dma_start3A_329, %dma_start3A_330] : memref<100000x128xf32, #tpu.memory_space<hbm>> -> memref<100000x128xf32, #tpu.memory_space<hbm>>
      tpu.enqueue_indirect_dma source(%dma_start3A_331 : memref<100000x128xf32, #tpu.memory_space<hbm>>) target(%dma_start3A_328 : memref<128x128xf32, #tpu.memory_space<vmem>>) offsets(%arg8 : memref<128xi32, #tpu.memory_space<vmem>>) semaphore(%arg16 : memref<!tpu.dma_semaphore, #tpu.memory_space<semaphore_mem>>)
      %dma_start3A_332 = arith.constant 0 : i32
      %dma_start3A_333 = arith.constant 0 : i32
      %dma_start3A_334 = tpu.memref_slice %arg5[%dma_start3A_332, %dma_start3A_333] : memref<1500x128xf32, #tpu.memory_space<hbm>> -> memref<1500x128xf32, #tpu.memory_space<hbm>>
      tpu.enqueue_indirect_dma source(%dma_start3A_334 : memref<1500x128xf32, #tpu.memory_space<hbm>>) target(%arg12 : memref<128x128xf32, #tpu.memory_space<vmem>>) offsets(%arg10 : memref<128xi32, #tpu.memory_space<vmem>>) semaphore(%arg16 : memref<!tpu.dma_semaphore, #tpu.memory_space<semaphore_mem>>)
      %dma_wait3A_335 = arith.constant 0 : i32
      %dma_wait3A_336 = arith.constant 0 : i32
      %dma_wait3A_337 = tpu.memref_slice %arg13[%dma_wait3A_335, %dma_wait3A_336] : memref<128x176xf32, #tpu.memory_space<vmem>> -> memref<128x128xf32, #tpu.memory_space<vmem>>
      %dma_wait3A_338 = arith.constant 0 : i32
      %dma_wait3A_339 = arith.constant 0 : i32
      %dma_wait3A_340 = tpu.memref_slice %arg4[%dma_wait3A_338, %dma_wait3A_339] : memref<100000x128xf32, #tpu.memory_space<hbm>> -> memref<128x128xf32, #tpu.memory_space<hbm>>
      %dma_wait3A_341 = arith.constant 0 : i32
      %dma_wait3A_342 = arith.constant 0 : i32
      %dma_wait3A_343 = tpu.memref_slice %arg13[%dma_wait3A_341, %dma_wait3A_342] : memref<128x176xf32, #tpu.memory_space<vmem>> -> memref<128x128xf32, #tpu.memory_space<vmem>>
      %dma_wait3A_344 = arith.constant 0 : i32
      %dma_wait3A_345 = arith.constant 0 : i32
      %dma_wait3A_346 = tpu.memref_slice %arg4[%dma_wait3A_344, %dma_wait3A_345] : memref<100000x128xf32, #tpu.memory_space<hbm>> -> memref<128x128xf32, #tpu.memory_space<hbm>>
      tpu.wait_dma2 semaphore(%arg15 : memref<!tpu.dma_semaphore, #tpu.memory_space<semaphore_mem>>) src(%dma_wait3A_346 : memref<128x128xf32, #tpu.memory_space<hbm>>) dst(%dma_wait3A_343 : memref<128x128xf32, #tpu.memory_space<vmem>>)
      %dma_wait3A_347 = arith.constant 0 : i32
      %dma_wait3A_348 = arith.constant 0 : i32
      %dma_wait3A_349 = tpu.memref_slice %arg5[%dma_wait3A_347, %dma_wait3A_348] : memref<1500x128xf32, #tpu.memory_space<hbm>> -> memref<128x128xf32, #tpu.memory_space<hbm>>
      %dma_wait3A_350 = arith.constant 0 : i32
      %dma_wait3A_351 = arith.constant 0 : i32
      %dma_wait3A_352 = tpu.memref_slice %arg5[%dma_wait3A_350, %dma_wait3A_351] : memref<1500x128xf32, #tpu.memory_space<hbm>> -> memref<128x128xf32, #tpu.memory_space<hbm>>
      tpu.wait_dma2 semaphore(%arg15 : memref<!tpu.dma_semaphore, #tpu.memory_space<semaphore_mem>>) src(%dma_wait3A_352 : memref<128x128xf32, #tpu.memory_space<hbm>>) dst(%arg11 : memref<128x128xf32, #tpu.memory_space<vmem>>)
      %scan3A_353 = arith.constant 0 : i32
      %scan3A_354 = arith.constant 0 : i32
      %scan3A_355 = arith.constant 128 : i32
      %scan3A_356 = arith.addi %scan3A_354, %scan3A_355 : i32
      %scan3A_357 = arith.constant 1 : i32
      scf.for %scan3A_375 = %scan3A_354 to %scan3A_356 step %scan3A_357  : i32 {
        %get3A = arith.constant 0 : i32
        %get3A_376 = tpu.memref_slice %arg11[%scan3A_375, %get3A] : memref<128x128xf32, #tpu.memory_space<vmem>> -> memref<1x128xf32, #tpu.memory_space<vmem>>
        %get3A_377 = tpu.memref_squeeze %get3A_376 : memref<1x128xf32, #tpu.memory_space<vmem>> -> memref<128xf32, #tpu.memory_space<vmem>>
        %get3A_378 = arith.constant 0 : index
        %get3A_379 = tpu.vector_load %get3A_377[%get3A_378] {strides = array<i32>} : memref<128xf32, #tpu.memory_space<vmem>>, vector<16xf32>,
        %get3A_380 = vector.shape_cast %get3A_379 : vector<16xf32> to vector<16xf32>
        %swap3A = arith.constant 0 : i32
        %swap3A_381 = tpu.memref_slice %arg13[%scan3A_375, %swap3A] : memref<128x176xf32, #tpu.memory_space<vmem>> -> memref<1x176xf32, #tpu.memory_space<vmem>>
        %swap3A_382 = tpu.memref_squeeze %swap3A_381 : memref<1x176xf32, #tpu.memory_space<vmem>> -> memref<176xf32, #tpu.memory_space<vmem>>
        %swap3A_383 = arith.constant 128 : index
        %swap3A_384 = tpu.vector_load %swap3A_382[%swap3A_383] {strides = array<i32>} : memref<176xf32, #tpu.memory_space<vmem>>, vector<16xf32>,
        %swap3A_385 = vector.shape_cast %swap3A_384 : vector<16xf32> to vector<16xf32>
        %swap3A_386 = vector.shape_cast %get3A_380 : vector<16xf32> to vector<16xf32>
        tpu.vector_store %swap3A_382[%swap3A_383], %swap3A_386 {strides = array<i32>} : memref<176xf32, #tpu.memory_space<vmem>>, vector<16xf32>,
        %get3A_387 = arith.constant 0 : i32
        %get3A_388 = tpu.memref_slice %arg11[%scan3A_375, %get3A_387] : memref<128x128xf32, #tpu.memory_space<vmem>> -> memref<1x128xf32, #tpu.memory_space<vmem>>
        %get3A_389 = tpu.memref_squeeze %get3A_388 : memref<1x128xf32, #tpu.memory_space<vmem>> -> memref<128xf32, #tpu.memory_space<vmem>>
        %get3A_390 = arith.constant 16 : index
        %get3A_391 = tpu.vector_load %get3A_389[%get3A_390] {strides = array<i32>} : memref<128xf32, #tpu.memory_space<vmem>>, vector<16xf32>,
        %get3A_392 = vector.shape_cast %get3A_391 : vector<16xf32> to vector<16xf32>
        %swap3A_393 = arith.constant 0 : i32
        %swap3A_394 = tpu.memref_slice %arg13[%scan3A_375, %swap3A_393] : memref<128x176xf32, #tpu.memory_space<vmem>> -> memref<1x176xf32, #tpu.memory_space<vmem>>
        %swap3A_395 = tpu.memref_squeeze %swap3A_394 : memref<1x176xf32, #tpu.memory_space<vmem>> -> memref<176xf32, #tpu.memory_space<vmem>>
        %swap3A_396 = arith.constant 144 : index
        %swap3A_397 = tpu.vector_load %swap3A_395[%swap3A_396] {strides = array<i32>} : memref<176xf32, #tpu.memory_space<vmem>>, vector<16xf32>,
        %swap3A_398 = vector.shape_cast %swap3A_397 : vector<16xf32> to vector<16xf32>
        %swap3A_399 = vector.shape_cast %get3A_392 : vector<16xf32> to vector<16xf32>
        tpu.vector_store %swap3A_395[%swap3A_396], %swap3A_399 {strides = array<i32>} : memref<176xf32, #tpu.memory_space<vmem>>, vector<16xf32>,
        %get3A_400 = arith.constant 0 : i32
        %get3A_401 = tpu.memref_slice %arg11[%scan3A_375, %get3A_400] : memref<128x128xf32, #tpu.memory_space<vmem>> -> memref<1x128xf32, #tpu.memory_space<vmem>>
        %get3A_402 = tpu.memref_squeeze %get3A_401 : memref<1x128xf32, #tpu.memory_space<vmem>> -> memref<128xf32, #tpu.memory_space<vmem>>
        %get3A_403 = arith.constant 32 : index
        %get3A_404 = tpu.vector_load %get3A_402[%get3A_403] {strides = array<i32>} : memref<128xf32, #tpu.memory_space<vmem>>, vector<16xf32>,
        %get3A_405 = vector.shape_cast %get3A_404 : vector<16xf32> to vector<16xf32>
        %swap3A_406 = arith.constant 0 : i32
        %swap3A_407 = tpu.memref_slice %arg13[%scan3A_375, %swap3A_406] : memref<128x176xf32, #tpu.memory_space<vmem>> -> memref<1x176xf32, #tpu.memory_space<vmem>>
        %swap3A_408 = tpu.memref_squeeze %swap3A_407 : memref<1x176xf32, #tpu.memory_space<vmem>> -> memref<176xf32, #tpu.memory_space<vmem>>
        %swap3A_409 = arith.constant 160 : index
        %swap3A_410 = tpu.vector_load %swap3A_408[%swap3A_409] {strides = array<i32>} : memref<176xf32, #tpu.memory_space<vmem>>, vector<16xf32>,
        %swap3A_411 = vector.shape_cast %swap3A_410 : vector<16xf32> to vector<16xf32>
        %swap3A_412 = vector.shape_cast %get3A_405 : vector<16xf32> to vector<16xf32>
        tpu.vector_store %swap3A_408[%swap3A_409], %swap3A_412 {strides = array<i32>} : memref<176xf32, #tpu.memory_space<vmem>>, vector<16xf32>,
      }
      %scan3A_358 = arith.constant 128 : i32
      %mul3A_359 = arith.constant 128 : i32
      %mul3A_360 = arith.muli %add3A_311, %mul3A_359 : i32
      %add3A_361 = arith.addi %mul3A_2, %mul3A_360 : i32
      %dma_start3A_362 = arith.constant 0 : i32
      %dma_start3A_363 = tpu.memref_slice %arg6[%add3A_361, %dma_start3A_362] : memref<204800x176xf32, #tpu.memory_space<hbm>> -> memref<128x176xf32, #tpu.memory_space<hbm>>
      %dma_start3A_364 = arith.constant 0 : i32
      %dma_start3A_365 = tpu.memref_slice %arg6[%add3A_361, %dma_start3A_364] : memref<204800x176xf32, #tpu.memory_space<hbm>> -> memref<128x176xf32, #tpu.memory_space<hbm>>
      tpu.enqueue_dma source(%arg13 : memref<128x176xf32, #tpu.memory_space<vmem>>) target(%dma_start3A_365 : memref<128x176xf32, #tpu.memory_space<hbm>>) target_semaphore(%arg19 : memref<!tpu.dma_semaphore, #tpu.memory_space<semaphore_mem>>)
      %add3A_366 = arith.constant 2 : i32
      %add3A_367 = arith.addi %add3A_311, %add3A_366 : i32
      %mul3A_368 = arith.constant 128 : i32
      %mul3A_369 = arith.muli %add3A_367, %mul3A_368 : i32
      %add3A_370 = arith.addi %mul3A_2, %mul3A_369 : i32
      %dma_start3A_371 = tpu.memref_slice %arg2[%add3A_370] : memref<204800xi32, #tpu.memory_space<hbm>> -> memref<128xi32, #tpu.memory_space<hbm>>
      %dma_start3A_372 = tpu.memref_slice %arg2[%add3A_370] : memref<204800xi32, #tpu.memory_space<hbm>> -> memref<128xi32, #tpu.memory_space<hbm>>
      tpu.enqueue_dma source(%dma_start3A_372 : memref<128xi32, #tpu.memory_space<hbm>>) target(%arg7 : memref<128xi32, #tpu.memory_space<vmem>>) target_semaphore(%arg17 : memref<!tpu.dma_semaphore, #tpu.memory_space<semaphore_mem>>)
      %dma_start3A_373 = tpu.memref_slice %arg3[%add3A_370] : memref<204800xi32, #tpu.memory_space<hbm>> -> memref<128xi32, #tpu.memory_space<hbm>>
      %dma_start3A_374 = tpu.memref_slice %arg3[%add3A_370] : memref<204800xi32, #tpu.memory_space<hbm>> -> memref<128xi32, #tpu.memory_space<hbm>>
      tpu.enqueue_dma source(%dma_start3A_374 : memref<128xi32, #tpu.memory_space<hbm>>) target(%arg9 : memref<128xi32, #tpu.memory_space<vmem>>) target_semaphore(%arg17 : memref<!tpu.dma_semaphore, #tpu.memory_space<semaphore_mem>>)
    }
    %scan3A_87 = arith.constant 23 : i32
    %dma_wait3A_88 = arith.constant 0 : i32
    %dma_wait3A_89 = tpu.memref_slice %arg2[%dma_wait3A_88] : memref<204800xi32, #tpu.memory_space<hbm>> -> memref<128xi32, #tpu.memory_space<hbm>>
    %dma_wait3A_90 = arith.constant 0 : i32
    %dma_wait3A_91 = tpu.memref_slice %arg2[%dma_wait3A_90] : memref<204800xi32, #tpu.memory_space<hbm>> -> memref<128xi32, #tpu.memory_space<hbm>>
    tpu.wait_dma2 semaphore(%arg17 : memref<!tpu.dma_semaphore, #tpu.memory_space<semaphore_mem>>) src(%dma_wait3A_91 : memref<128xi32, #tpu.memory_space<hbm>>) dst(%arg7 : memref<128xi32, #tpu.memory_space<vmem>>)
    %dma_wait3A_92 = arith.constant 0 : i32
    %dma_wait3A_93 = tpu.memref_slice %arg3[%dma_wait3A_92] : memref<204800xi32, #tpu.memory_space<hbm>> -> memref<128xi32, #tpu.memory_space<hbm>>
    %dma_wait3A_94 = arith.constant 0 : i32
    %dma_wait3A_95 = tpu.memref_slice %arg3[%dma_wait3A_94] : memref<204800xi32, #tpu.memory_space<hbm>> -> memref<128xi32, #tpu.memory_space<hbm>>
    tpu.wait_dma2 semaphore(%arg17 : memref<!tpu.dma_semaphore, #tpu.memory_space<semaphore_mem>>) src(%dma_wait3A_95 : memref<128xi32, #tpu.memory_space<hbm>>) dst(%arg9 : memref<128xi32, #tpu.memory_space<vmem>>)
    %dma_wait3A_96 = arith.constant 0 : i32
    %dma_wait3A_97 = arith.constant 0 : i32
    %dma_wait3A_98 = tpu.memref_slice %arg6[%dma_wait3A_96, %dma_wait3A_97] : memref<204800x176xf32, #tpu.memory_space<hbm>> -> memref<128x176xf32, #tpu.memory_space<hbm>>
    %dma_wait3A_99 = arith.constant 0 : i32
    %dma_wait3A_100 = arith.constant 0 : i32
    %dma_wait3A_101 = tpu.memref_slice %arg6[%dma_wait3A_99, %dma_wait3A_100] : memref<204800x176xf32, #tpu.memory_space<hbm>> -> memref<128x176xf32, #tpu.memory_space<hbm>>
    tpu.wait_dma2 semaphore(%arg19 : memref<!tpu.dma_semaphore, #tpu.memory_space<semaphore_mem>>) src(%arg13 : memref<128x176xf32, #tpu.memory_space<vmem>>) dst(%dma_wait3A_101 : memref<128x176xf32, #tpu.memory_space<hbm>>)
    %dma_start3A_102 = arith.constant 0 : i32
    %dma_start3A_103 = arith.constant 0 : i32
    %dma_start3A_104 = tpu.memref_slice %arg13[%dma_start3A_102, %dma_start3A_103] : memref<128x176xf32, #tpu.memory_space<vmem>> -> memref<128x128xf32, #tpu.memory_space<vmem>>
    %dma_start3A_105 = arith.constant 0 : i32
    %dma_start3A_106 = arith.constant 0 : i32
    %dma_start3A_107 = tpu.memref_slice %arg4[%dma_start3A_105, %dma_start3A_106] : memref<100000x128xf32, #tpu.memory_space<hbm>> -> memref<100000x128xf32, #tpu.memory_space<hbm>>
    tpu.enqueue_indirect_dma source(%dma_start3A_107 : memref<100000x128xf32, #tpu.memory_space<hbm>>) target(%dma_start3A_104 : memref<128x128xf32, #tpu.memory_space<vmem>>) offsets(%arg7 : memref<128xi32, #tpu.memory_space<vmem>>) semaphore(%arg15 : memref<!tpu.dma_semaphore, #tpu.memory_space<semaphore_mem>>)
    %dma_start3A_108 = arith.constant 0 : i32
    %dma_start3A_109 = arith.constant 0 : i32
    %dma_start3A_110 = tpu.memref_slice %arg5[%dma_start3A_108, %dma_start3A_109] : memref<1500x128xf32, #tpu.memory_space<hbm>> -> memref<1500x128xf32, #tpu.memory_space<hbm>>
    tpu.enqueue_indirect_dma source(%dma_start3A_110 : memref<1500x128xf32, #tpu.memory_space<hbm>>) target(%arg11 : memref<128x128xf32, #tpu.memory_space<vmem>>) offsets(%arg9 : memref<128xi32, #tpu.memory_space<vmem>>) semaphore(%arg15 : memref<!tpu.dma_semaphore, #tpu.memory_space<semaphore_mem>>)
    %dma_wait3A_111 = arith.constant 0 : i32
    %dma_wait3A_112 = arith.constant 0 : i32
    %dma_wait3A_113 = tpu.memref_slice %arg14[%dma_wait3A_111, %dma_wait3A_112] : memref<128x176xf32, #tpu.memory_space<vmem>> -> memref<128x128xf32, #tpu.memory_space<vmem>>
    %dma_wait3A_114 = arith.constant 0 : i32
    %dma_wait3A_115 = arith.constant 0 : i32
    %dma_wait3A_116 = tpu.memref_slice %arg4[%dma_wait3A_114, %dma_wait3A_115] : memref<100000x128xf32, #tpu.memory_space<hbm>> -> memref<128x128xf32, #tpu.memory_space<hbm>>
    %dma_wait3A_117 = arith.constant 0 : i32
    %dma_wait3A_118 = arith.constant 0 : i32
    %dma_wait3A_119 = tpu.memref_slice %arg14[%dma_wait3A_117, %dma_wait3A_118] : memref<128x176xf32, #tpu.memory_space<vmem>> -> memref<128x128xf32, #tpu.memory_space<vmem>>
    %dma_wait3A_120 = arith.constant 0 : i32
    %dma_wait3A_121 = arith.constant 0 : i32
    %dma_wait3A_122 = tpu.memref_slice %arg4[%dma_wait3A_120, %dma_wait3A_121] : memref<100000x128xf32, #tpu.memory_space<hbm>> -> memref<128x128xf32, #tpu.memory_space<hbm>>
    tpu.wait_dma2 semaphore(%arg16 : memref<!tpu.dma_semaphore, #tpu.memory_space<semaphore_mem>>) src(%dma_wait3A_122 : memref<128x128xf32, #tpu.memory_space<hbm>>) dst(%dma_wait3A_119 : memref<128x128xf32, #tpu.memory_space<vmem>>)
    %dma_wait3A_123 = arith.constant 0 : i32
    %dma_wait3A_124 = arith.constant 0 : i32
    %dma_wait3A_125 = tpu.memref_slice %arg5[%dma_wait3A_123, %dma_wait3A_124] : memref<1500x128xf32, #tpu.memory_space<hbm>> -> memref<128x128xf32, #tpu.memory_space<hbm>>
    %dma_wait3A_126 = arith.constant 0 : i32
    %dma_wait3A_127 = arith.constant 0 : i32
    %dma_wait3A_128 = tpu.memref_slice %arg5[%dma_wait3A_126, %dma_wait3A_127] : memref<1500x128xf32, #tpu.memory_space<hbm>> -> memref<128x128xf32, #tpu.memory_space<hbm>>
    tpu.wait_dma2 semaphore(%arg16 : memref<!tpu.dma_semaphore, #tpu.memory_space<semaphore_mem>>) src(%dma_wait3A_128 : memref<128x128xf32, #tpu.memory_space<hbm>>) dst(%arg12 : memref<128x128xf32, #tpu.memory_space<vmem>>)
    %scan3A_129 = arith.constant 0 : i32
    %scan3A_130 = arith.constant 0 : i32
    %scan3A_131 = arith.constant 128 : i32
    %scan3A_132 = arith.addi %scan3A_130, %scan3A_131 : i32
    %scan3A_133 = arith.constant 1 : i32
    scf.for %scan3A_242 = %scan3A_130 to %scan3A_132 step %scan3A_133  : i32 {
      %get3A = arith.constant 0 : i32
      %get3A_243 = tpu.memref_slice %arg12[%scan3A_242, %get3A] : memref<128x128xf32, #tpu.memory_space<vmem>> -> memref<1x128xf32, #tpu.memory_space<vmem>>
      %get3A_244 = tpu.memref_squeeze %get3A_243 : memref<1x128xf32, #tpu.memory_space<vmem>> -> memref<128xf32, #tpu.memory_space<vmem>>
      %get3A_245 = arith.constant 0 : index
      %get3A_246 = tpu.vector_load %get3A_244[%get3A_245] {strides = array<i32>} : memref<128xf32, #tpu.memory_space<vmem>>, vector<16xf32>,
      %get3A_247 = vector.shape_cast %get3A_246 : vector<16xf32> to vector<16xf32>
      %swap3A = arith.constant 0 : i32
      %swap3A_248 = tpu.memref_slice %arg14[%scan3A_242, %swap3A] : memref<128x176xf32, #tpu.memory_space<vmem>> -> memref<1x176xf32, #tpu.memory_space<vmem>>
      %swap3A_249 = tpu.memref_squeeze %swap3A_248 : memref<1x176xf32, #tpu.memory_space<vmem>> -> memref<176xf32, #tpu.memory_space<vmem>>
      %swap3A_250 = arith.constant 128 : index
      %swap3A_251 = tpu.vector_load %swap3A_249[%swap3A_250] {strides = array<i32>} : memref<176xf32, #tpu.memory_space<vmem>>, vector<16xf32>,
      %swap3A_252 = vector.shape_cast %swap3A_251 : vector<16xf32> to vector<16xf32>
      %swap3A_253 = vector.shape_cast %get3A_247 : vector<16xf32> to vector<16xf32>
      tpu.vector_store %swap3A_249[%swap3A_250], %swap3A_253 {strides = array<i32>} : memref<176xf32, #tpu.memory_space<vmem>>, vector<16xf32>,
      %get3A_254 = arith.constant 0 : i32
      %get3A_255 = tpu.memref_slice %arg12[%scan3A_242, %get3A_254] : memref<128x128xf32, #tpu.memory_space<vmem>> -> memref<1x128xf32, #tpu.memory_space<vmem>>
      %get3A_256 = tpu.memref_squeeze %get3A_255 : memref<1x128xf32, #tpu.memory_space<vmem>> -> memref<128xf32, #tpu.memory_space<vmem>>
      %get3A_257 = arith.constant 16 : index
      %get3A_258 = tpu.vector_load %get3A_256[%get3A_257] {strides = array<i32>} : memref<128xf32, #tpu.memory_space<vmem>>, vector<16xf32>,
      %get3A_259 = vector.shape_cast %get3A_258 : vector<16xf32> to vector<16xf32>
      %swap3A_260 = arith.constant 0 : i32
      %swap3A_261 = tpu.memref_slice %arg14[%scan3A_242, %swap3A_260] : memref<128x176xf32, #tpu.memory_space<vmem>> -> memref<1x176xf32, #tpu.memory_space<vmem>>
      %swap3A_262 = tpu.memref_squeeze %swap3A_261 : memref<1x176xf32, #tpu.memory_space<vmem>> -> memref<176xf32, #tpu.memory_space<vmem>>
      %swap3A_263 = arith.constant 144 : index
      %swap3A_264 = tpu.vector_load %swap3A_262[%swap3A_263] {strides = array<i32>} : memref<176xf32, #tpu.memory_space<vmem>>, vector<16xf32>,
      %swap3A_265 = vector.shape_cast %swap3A_264 : vector<16xf32> to vector<16xf32>
      %swap3A_266 = vector.shape_cast %get3A_259 : vector<16xf32> to vector<16xf32>
      tpu.vector_store %swap3A_262[%swap3A_263], %swap3A_266 {strides = array<i32>} : memref<176xf32, #tpu.memory_space<vmem>>, vector<16xf32>,
      %get3A_267 = arith.constant 0 : i32
      %get3A_268 = tpu.memref_slice %arg12[%scan3A_242, %get3A_267] : memref<128x128xf32, #tpu.memory_space<vmem>> -> memref<1x128xf32, #tpu.memory_space<vmem>>
      %get3A_269 = tpu.memref_squeeze %get3A_268 : memref<1x128xf32, #tpu.memory_space<vmem>> -> memref<128xf32, #tpu.memory_space<vmem>>
      %get3A_270 = arith.constant 32 : index
      %get3A_271 = tpu.vector_load %get3A_269[%get3A_270] {strides = array<i32>} : memref<128xf32, #tpu.memory_space<vmem>>, vector<16xf32>,
      %get3A_272 = vector.shape_cast %get3A_271 : vector<16xf32> to vector<16xf32>
      %swap3A_273 = arith.constant 0 : i32
      %swap3A_274 = tpu.memref_slice %arg14[%scan3A_242, %swap3A_273] : memref<128x176xf32, #tpu.memory_space<vmem>> -> memref<1x176xf32, #tpu.memory_space<vmem>>
      %swap3A_275 = tpu.memref_squeeze %swap3A_274 : memref<1x176xf32, #tpu.memory_space<vmem>> -> memref<176xf32, #tpu.memory_space<vmem>>
      %swap3A_276 = arith.constant 160 : index
      %swap3A_277 = tpu.vector_load %swap3A_275[%swap3A_276] {strides = array<i32>} : memref<176xf32, #tpu.memory_space<vmem>>, vector<16xf32>,
      %swap3A_278 = vector.shape_cast %swap3A_277 : vector<16xf32> to vector<16xf32>
      %swap3A_279 = vector.shape_cast %get3A_272 : vector<16xf32> to vector<16xf32>
      tpu.vector_store %swap3A_275[%swap3A_276], %swap3A_279 {strides = array<i32>} : memref<176xf32, #tpu.memory_space<vmem>>, vector<16xf32>,
    }
    %scan3A_134 = arith.constant 128 : i32
    %add3A_135 = arith.constant 6016 : i32
    %add3A_136 = arith.addi %mul3A_2, %add3A_135 : i32
    %dma_start3A_137 = arith.constant 0 : i32
    %dma_start3A_138 = tpu.memref_slice %arg6[%add3A_136, %dma_start3A_137] : memref<204800x176xf32, #tpu.memory_space<hbm>> -> memref<128x176xf32, #tpu.memory_space<hbm>>
    %dma_start3A_139 = arith.constant 0 : i32
    %dma_start3A_140 = tpu.memref_slice %arg6[%add3A_136, %dma_start3A_139] : memref<204800x176xf32, #tpu.memory_space<hbm>> -> memref<128x176xf32, #tpu.memory_space<hbm>>
    tpu.enqueue_dma source(%arg14 : memref<128x176xf32, #tpu.memory_space<vmem>>) target(%dma_start3A_140 : memref<128x176xf32, #tpu.memory_space<hbm>>) target_semaphore(%arg20 : memref<!tpu.dma_semaphore, #tpu.memory_space<semaphore_mem>>)
    %add3A_141 = arith.constant 6272 : i32
    %add3A_142 = arith.addi %mul3A_2, %add3A_141 : i32
    %dma_start3A_143 = tpu.memref_slice %arg2[%add3A_142] : memref<204800xi32, #tpu.memory_space<hbm>> -> memref<128xi32, #tpu.memory_space<hbm>>
    %dma_start3A_144 = tpu.memref_slice %arg2[%add3A_142] : memref<204800xi32, #tpu.memory_space<hbm>> -> memref<128xi32, #tpu.memory_space<hbm>>
    tpu.enqueue_dma source(%dma_start3A_144 : memref<128xi32, #tpu.memory_space<hbm>>) target(%arg8 : memref<128xi32, #tpu.memory_space<vmem>>) target_semaphore(%arg18 : memref<!tpu.dma_semaphore, #tpu.memory_space<semaphore_mem>>)
    %dma_start3A_145 = tpu.memref_slice %arg3[%add3A_142] : memref<204800xi32, #tpu.memory_space<hbm>> -> memref<128xi32, #tpu.memory_space<hbm>>
    %dma_start3A_146 = tpu.memref_slice %arg3[%add3A_142] : memref<204800xi32, #tpu.memory_space<hbm>> -> memref<128xi32, #tpu.memory_space<hbm>>
    tpu.enqueue_dma source(%dma_start3A_146 : memref<128xi32, #tpu.memory_space<hbm>>) target(%arg10 : memref<128xi32, #tpu.memory_space<vmem>>) target_semaphore(%arg18 : memref<!tpu.dma_semaphore, #tpu.memory_space<semaphore_mem>>)
    %dma_wait3A_147 = arith.constant 0 : i32
    %dma_wait3A_148 = tpu.memref_slice %arg2[%dma_wait3A_147] : memref<204800xi32, #tpu.memory_space<hbm>> -> memref<128xi32, #tpu.memory_space<hbm>>
    %dma_wait3A_149 = arith.constant 0 : i32
    %dma_wait3A_150 = tpu.memref_slice %arg2[%dma_wait3A_149] : memref<204800xi32, #tpu.memory_space<hbm>> -> memref<128xi32, #tpu.memory_space<hbm>>
    tpu.wait_dma2 semaphore(%arg18 : memref<!tpu.dma_semaphore, #tpu.memory_space<semaphore_mem>>) src(%dma_wait3A_150 : memref<128xi32, #tpu.memory_space<hbm>>) dst(%arg8 : memref<128xi32, #tpu.memory_space<vmem>>)
    %dma_wait3A_151 = arith.constant 0 : i32
    %dma_wait3A_152 = tpu.memref_slice %arg3[%dma_wait3A_151] : memref<204800xi32, #tpu.memory_space<hbm>> -> memref<128xi32, #tpu.memory_space<hbm>>
    %dma_wait3A_153 = arith.constant 0 : i32
    %dma_wait3A_154 = tpu.memref_slice %arg3[%dma_wait3A_153] : memref<204800xi32, #tpu.memory_space<hbm>> -> memref<128xi32, #tpu.memory_space<hbm>>
    tpu.wait_dma2 semaphore(%arg18 : memref<!tpu.dma_semaphore, #tpu.memory_space<semaphore_mem>>) src(%dma_wait3A_154 : memref<128xi32, #tpu.memory_space<hbm>>) dst(%arg10 : memref<128xi32, #tpu.memory_space<vmem>>)
    %dma_wait3A_155 = arith.constant 0 : i32
    %dma_wait3A_156 = arith.constant 0 : i32
    %dma_wait3A_157 = tpu.memref_slice %arg6[%dma_wait3A_155, %dma_wait3A_156] : memref<204800x176xf32, #tpu.memory_space<hbm>> -> memref<128x176xf32, #tpu.memory_space<hbm>>
    %dma_wait3A_158 = arith.constant 0 : i32
    %dma_wait3A_159 = arith.constant 0 : i32
    %dma_wait3A_160 = tpu.memref_slice %arg6[%dma_wait3A_158, %dma_wait3A_159] : memref<204800x176xf32, #tpu.memory_space<hbm>> -> memref<128x176xf32, #tpu.memory_space<hbm>>
    tpu.wait_dma2 semaphore(%arg20 : memref<!tpu.dma_semaphore, #tpu.memory_space<semaphore_mem>>) src(%arg14 : memref<128x176xf32, #tpu.memory_space<vmem>>) dst(%dma_wait3A_160 : memref<128x176xf32, #tpu.memory_space<hbm>>)
    %dma_start3A_161 = arith.constant 0 : i32
    %dma_start3A_162 = arith.constant 0 : i32
    %dma_start3A_163 = tpu.memref_slice %arg14[%dma_start3A_161, %dma_start3A_162] : memref<128x176xf32, #tpu.memory_space<vmem>> -> memref<128x128xf32, #tpu.memory_space<vmem>>
    %dma_start3A_164 = arith.constant 0 : i32
    %dma_start3A_165 = arith.constant 0 : i32
    %dma_start3A_166 = tpu.memref_slice %arg4[%dma_start3A_164, %dma_start3A_165] : memref<100000x128xf32, #tpu.memory_space<hbm>> -> memref<100000x128xf32, #tpu.memory_space<hbm>>
    tpu.enqueue_indirect_dma source(%dma_start3A_166 : memref<100000x128xf32, #tpu.memory_space<hbm>>) target(%dma_start3A_163 : memref<128x128xf32, #tpu.memory_space<vmem>>) offsets(%arg8 : memref<128xi32, #tpu.memory_space<vmem>>) semaphore(%arg16 : memref<!tpu.dma_semaphore, #tpu.memory_space<semaphore_mem>>)
    %dma_start3A_167 = arith.constant 0 : i32
    %dma_start3A_168 = arith.constant 0 : i32
    %dma_start3A_169 = tpu.memref_slice %arg5[%dma_start3A_167, %dma_start3A_168] : memref<1500x128xf32, #tpu.memory_space<hbm>> -> memref<1500x128xf32, #tpu.memory_space<hbm>>
    tpu.enqueue_indirect_dma source(%dma_start3A_169 : memref<1500x128xf32, #tpu.memory_space<hbm>>) target(%arg12 : memref<128x128xf32, #tpu.memory_space<vmem>>) offsets(%arg10 : memref<128xi32, #tpu.memory_space<vmem>>) semaphore(%arg16 : memref<!tpu.dma_semaphore, #tpu.memory_space<semaphore_mem>>)
    %dma_wait3A_170 = arith.constant 0 : i32
    %dma_wait3A_171 = arith.constant 0 : i32
    %dma_wait3A_172 = tpu.memref_slice %arg13[%dma_wait3A_170, %dma_wait3A_171] : memref<128x176xf32, #tpu.memory_space<vmem>> -> memref<128x128xf32, #tpu.memory_space<vmem>>
    %dma_wait3A_173 = arith.constant 0 : i32
    %dma_wait3A_174 = arith.constant 0 : i32
    %dma_wait3A_175 = tpu.memref_slice %arg4[%dma_wait3A_173, %dma_wait3A_174] : memref<100000x128xf32, #tpu.memory_space<hbm>> -> memref<128x128xf32, #tpu.memory_space<hbm>>
    %dma_wait3A_176 = arith.constant 0 : i32
    %dma_wait3A_177 = arith.constant 0 : i32
    %dma_wait3A_178 = tpu.memref_slice %arg13[%dma_wait3A_176, %dma_wait3A_177] : memref<128x176xf32, #tpu.memory_space<vmem>> -> memref<128x128xf32, #tpu.memory_space<vmem>>
    %dma_wait3A_179 = arith.constant 0 : i32
    %dma_wait3A_180 = arith.constant 0 : i32
    %dma_wait3A_181 = tpu.memref_slice %arg4[%dma_wait3A_179, %dma_wait3A_180] : memref<100000x128xf32, #tpu.memory_space<hbm>> -> memref<128x128xf32, #tpu.memory_space<hbm>>
    tpu.wait_dma2 semaphore(%arg15 : memref<!tpu.dma_semaphore, #tpu.memory_space<semaphore_mem>>) src(%dma_wait3A_181 : memref<128x128xf32, #tpu.memory_space<hbm>>) dst(%dma_wait3A_178 : memref<128x128xf32, #tpu.memory_space<vmem>>)
    %dma_wait3A_182 = arith.constant 0 : i32
    %dma_wait3A_183 = arith.constant 0 : i32
    %dma_wait3A_184 = tpu.memref_slice %arg5[%dma_wait3A_182, %dma_wait3A_183] : memref<1500x128xf32, #tpu.memory_space<hbm>> -> memref<128x128xf32, #tpu.memory_space<hbm>>
    %dma_wait3A_185 = arith.constant 0 : i32
    %dma_wait3A_186 = arith.constant 0 : i32
    %dma_wait3A_187 = tpu.memref_slice %arg5[%dma_wait3A_185, %dma_wait3A_186] : memref<1500x128xf32, #tpu.memory_space<hbm>> -> memref<128x128xf32, #tpu.memory_space<hbm>>
    tpu.wait_dma2 semaphore(%arg15 : memref<!tpu.dma_semaphore, #tpu.memory_space<semaphore_mem>>) src(%dma_wait3A_187 : memref<128x128xf32, #tpu.memory_space<hbm>>) dst(%arg11 : memref<128x128xf32, #tpu.memory_space<vmem>>)
    %scan3A_188 = arith.constant 0 : i32
    %scan3A_189 = arith.constant 0 : i32
    %scan3A_190 = arith.constant 128 : i32
    %scan3A_191 = arith.addi %scan3A_189, %scan3A_190 : i32
    %scan3A_192 = arith.constant 1 : i32
    scf.for %scan3A_242 = %scan3A_189 to %scan3A_191 step %scan3A_192  : i32 {
      %get3A = arith.constant 0 : i32
      %get3A_243 = tpu.memref_slice %arg11[%scan3A_242, %get3A] : memref<128x128xf32, #tpu.memory_space<vmem>> -> memref<1x128xf32, #tpu.memory_space<vmem>>
      %get3A_244 = tpu.memref_squeeze %get3A_243 : memref<1x128xf32, #tpu.memory_space<vmem>> -> memref<128xf32, #tpu.memory_space<vmem>>
      %get3A_245 = arith.constant 0 : index
      %get3A_246 = tpu.vector_load %get3A_244[%get3A_245] {strides = array<i32>} : memref<128xf32, #tpu.memory_space<vmem>>, vector<16xf32>,
      %get3A_247 = vector.shape_cast %get3A_246 : vector<16xf32> to vector<16xf32>
      %swap3A = arith.constant 0 : i32
      %swap3A_248 = tpu.memref_slice %arg13[%scan3A_242, %swap3A] : memref<128x176xf32, #tpu.memory_space<vmem>> -> memref<1x176xf32, #tpu.memory_space<vmem>>
      %swap3A_249 = tpu.memref_squeeze %swap3A_248 : memref<1x176xf32, #tpu.memory_space<vmem>> -> memref<176xf32, #tpu.memory_space<vmem>>
      %swap3A_250 = arith.constant 128 : index
      %swap3A_251 = tpu.vector_load %swap3A_249[%swap3A_250] {strides = array<i32>} : memref<176xf32, #tpu.memory_space<vmem>>, vector<16xf32>,
      %swap3A_252 = vector.shape_cast %swap3A_251 : vector<16xf32> to vector<16xf32>
      %swap3A_253 = vector.shape_cast %get3A_247 : vector<16xf32> to vector<16xf32>
      tpu.vector_store %swap3A_249[%swap3A_250], %swap3A_253 {strides = array<i32>} : memref<176xf32, #tpu.memory_space<vmem>>, vector<16xf32>,
      %get3A_254 = arith.constant 0 : i32
      %get3A_255 = tpu.memref_slice %arg11[%scan3A_242, %get3A_254] : memref<128x128xf32, #tpu.memory_space<vmem>> -> memref<1x128xf32, #tpu.memory_space<vmem>>
      %get3A_256 = tpu.memref_squeeze %get3A_255 : memref<1x128xf32, #tpu.memory_space<vmem>> -> memref<128xf32, #tpu.memory_space<vmem>>
      %get3A_257 = arith.constant 16 : index
      %get3A_258 = tpu.vector_load %get3A_256[%get3A_257] {strides = array<i32>} : memref<128xf32, #tpu.memory_space<vmem>>, vector<16xf32>,
      %get3A_259 = vector.shape_cast %get3A_258 : vector<16xf32> to vector<16xf32>
      %swap3A_260 = arith.constant 0 : i32
      %swap3A_261 = tpu.memref_slice %arg13[%scan3A_242, %swap3A_260] : memref<128x176xf32, #tpu.memory_space<vmem>> -> memref<1x176xf32, #tpu.memory_space<vmem>>
      %swap3A_262 = tpu.memref_squeeze %swap3A_261 : memref<1x176xf32, #tpu.memory_space<vmem>> -> memref<176xf32, #tpu.memory_space<vmem>>
      %swap3A_263 = arith.constant 144 : index
      %swap3A_264 = tpu.vector_load %swap3A_262[%swap3A_263] {strides = array<i32>} : memref<176xf32, #tpu.memory_space<vmem>>, vector<16xf32>,
      %swap3A_265 = vector.shape_cast %swap3A_264 : vector<16xf32> to vector<16xf32>
      %swap3A_266 = vector.shape_cast %get3A_259 : vector<16xf32> to vector<16xf32>
      tpu.vector_store %swap3A_262[%swap3A_263], %swap3A_266 {strides = array<i32>} : memref<176xf32, #tpu.memory_space<vmem>>, vector<16xf32>,
      %get3A_267 = arith.constant 0 : i32
      %get3A_268 = tpu.memref_slice %arg11[%scan3A_242, %get3A_267] : memref<128x128xf32, #tpu.memory_space<vmem>> -> memref<1x128xf32, #tpu.memory_space<vmem>>
      %get3A_269 = tpu.memref_squeeze %get3A_268 : memref<1x128xf32, #tpu.memory_space<vmem>> -> memref<128xf32, #tpu.memory_space<vmem>>
      %get3A_270 = arith.constant 32 : index
      %get3A_271 = tpu.vector_load %get3A_269[%get3A_270] {strides = array<i32>} : memref<128xf32, #tpu.memory_space<vmem>>, vector<16xf32>,
      %get3A_272 = vector.shape_cast %get3A_271 : vector<16xf32> to vector<16xf32>
      %swap3A_273 = arith.constant 0 : i32
      %swap3A_274 = tpu.memref_slice %arg13[%scan3A_242, %swap3A_273] : memref<128x176xf32, #tpu.memory_space<vmem>> -> memref<1x176xf32, #tpu.memory_space<vmem>>
      %swap3A_275 = tpu.memref_squeeze %swap3A_274 : memref<1x176xf32, #tpu.memory_space<vmem>> -> memref<176xf32, #tpu.memory_space<vmem>>
      %swap3A_276 = arith.constant 160 : index
      %swap3A_277 = tpu.vector_load %swap3A_275[%swap3A_276] {strides = array<i32>} : memref<176xf32, #tpu.memory_space<vmem>>, vector<16xf32>,
      %swap3A_278 = vector.shape_cast %swap3A_277 : vector<16xf32> to vector<16xf32>
      %swap3A_279 = vector.shape_cast %get3A_272 : vector<16xf32> to vector<16xf32>
      tpu.vector_store %swap3A_275[%swap3A_276], %swap3A_279 {strides = array<i32>} : memref<176xf32, #tpu.memory_space<vmem>>, vector<16xf32>,
    }
    %scan3A_193 = arith.constant 128 : i32
    %add3A_194 = arith.constant 6144 : i32
    %add3A_195 = arith.addi %mul3A_2, %add3A_194 : i32
    %dma_start3A_196 = arith.constant 0 : i32
    %dma_start3A_197 = tpu.memref_slice %arg6[%add3A_195, %dma_start3A_196] : memref<204800x176xf32, #tpu.memory_space<hbm>> -> memref<128x176xf32, #tpu.memory_space<hbm>>
    %dma_start3A_198 = arith.constant 0 : i32
    %dma_start3A_199 = tpu.memref_slice %arg6[%add3A_195, %dma_start3A_198] : memref<204800x176xf32, #tpu.memory_space<hbm>> -> memref<128x176xf32, #tpu.memory_space<hbm>>
    tpu.enqueue_dma source(%arg13 : memref<128x176xf32, #tpu.memory_space<vmem>>) target(%dma_start3A_199 : memref<128x176xf32, #tpu.memory_space<hbm>>) target_semaphore(%arg19 : memref<!tpu.dma_semaphore, #tpu.memory_space<semaphore_mem>>)
    %dma_wait3A_200 = arith.constant 0 : i32
    %dma_wait3A_201 = arith.constant 0 : i32
    %dma_wait3A_202 = tpu.memref_slice %arg14[%dma_wait3A_200, %dma_wait3A_201] : memref<128x176xf32, #tpu.memory_space<vmem>> -> memref<128x128xf32, #tpu.memory_space<vmem>>
    %dma_wait3A_203 = arith.constant 0 : i32
    %dma_wait3A_204 = arith.constant 0 : i32
    %dma_wait3A_205 = tpu.memref_slice %arg4[%dma_wait3A_203, %dma_wait3A_204] : memref<100000x128xf32, #tpu.memory_space<hbm>> -> memref<128x128xf32, #tpu.memory_space<hbm>>
    %dma_wait3A_206 = arith.constant 0 : i32
    %dma_wait3A_207 = arith.constant 0 : i32
    %dma_wait3A_208 = tpu.memref_slice %arg14[%dma_wait3A_206, %dma_wait3A_207] : memref<128x176xf32, #tpu.memory_space<vmem>> -> memref<128x128xf32, #tpu.memory_space<vmem>>
    %dma_wait3A_209 = arith.constant 0 : i32
    %dma_wait3A_210 = arith.constant 0 : i32
    %dma_wait3A_211 = tpu.memref_slice %arg4[%dma_wait3A_209, %dma_wait3A_210] : memref<100000x128xf32, #tpu.memory_space<hbm>> -> memref<128x128xf32, #tpu.memory_space<hbm>>
    tpu.wait_dma2 semaphore(%arg16 : memref<!tpu.dma_semaphore, #tpu.memory_space<semaphore_mem>>) src(%dma_wait3A_211 : memref<128x128xf32, #tpu.memory_space<hbm>>) dst(%dma_wait3A_208 : memref<128x128xf32, #tpu.memory_space<vmem>>)
    %dma_wait3A_212 = arith.constant 0 : i32
    %dma_wait3A_213 = arith.constant 0 : i32
    %dma_wait3A_214 = tpu.memref_slice %arg5[%dma_wait3A_212, %dma_wait3A_213] : memref<1500x128xf32, #tpu.memory_space<hbm>> -> memref<128x128xf32, #tpu.memory_space<hbm>>
    %dma_wait3A_215 = arith.constant 0 : i32
    %dma_wait3A_216 = arith.constant 0 : i32
    %dma_wait3A_217 = tpu.memref_slice %arg5[%dma_wait3A_215, %dma_wait3A_216] : memref<1500x128xf32, #tpu.memory_space<hbm>> -> memref<128x128xf32, #tpu.memory_space<hbm>>
    tpu.wait_dma2 semaphore(%arg16 : memref<!tpu.dma_semaphore, #tpu.memory_space<semaphore_mem>>) src(%dma_wait3A_217 : memref<128x128xf32, #tpu.memory_space<hbm>>) dst(%arg12 : memref<128x128xf32, #tpu.memory_space<vmem>>)
    %scan3A_218 = arith.constant 0 : i32
    %scan3A_219 = arith.constant 0 : i32
    %scan3A_220 = arith.constant 128 : i32
    %scan3A_221 = arith.addi %scan3A_219, %scan3A_220 : i32
    %scan3A_222 = arith.constant 1 : i32
    scf.for %scan3A_242 = %scan3A_219 to %scan3A_221 step %scan3A_222  : i32 {
      %get3A = arith.constant 0 : i32
      %get3A_243 = tpu.memref_slice %arg12[%scan3A_242, %get3A] : memref<128x128xf32, #tpu.memory_space<vmem>> -> memref<1x128xf32, #tpu.memory_space<vmem>>
      %get3A_244 = tpu.memref_squeeze %get3A_243 : memref<1x128xf32, #tpu.memory_space<vmem>> -> memref<128xf32, #tpu.memory_space<vmem>>
      %get3A_245 = arith.constant 0 : index
      %get3A_246 = tpu.vector_load %get3A_244[%get3A_245] {strides = array<i32>} : memref<128xf32, #tpu.memory_space<vmem>>, vector<16xf32>,
      %get3A_247 = vector.shape_cast %get3A_246 : vector<16xf32> to vector<16xf32>
      %swap3A = arith.constant 0 : i32
      %swap3A_248 = tpu.memref_slice %arg14[%scan3A_242, %swap3A] : memref<128x176xf32, #tpu.memory_space<vmem>> -> memref<1x176xf32, #tpu.memory_space<vmem>>
      %swap3A_249 = tpu.memref_squeeze %swap3A_248 : memref<1x176xf32, #tpu.memory_space<vmem>> -> memref<176xf32, #tpu.memory_space<vmem>>
      %swap3A_250 = arith.constant 128 : index
      %swap3A_251 = tpu.vector_load %swap3A_249[%swap3A_250] {strides = array<i32>} : memref<176xf32, #tpu.memory_space<vmem>>, vector<16xf32>,
      %swap3A_252 = vector.shape_cast %swap3A_251 : vector<16xf32> to vector<16xf32>
      %swap3A_253 = vector.shape_cast %get3A_247 : vector<16xf32> to vector<16xf32>
      tpu.vector_store %swap3A_249[%swap3A_250], %swap3A_253 {strides = array<i32>} : memref<176xf32, #tpu.memory_space<vmem>>, vector<16xf32>,
      %get3A_254 = arith.constant 0 : i32
      %get3A_255 = tpu.memref_slice %arg12[%scan3A_242, %get3A_254] : memref<128x128xf32, #tpu.memory_space<vmem>> -> memref<1x128xf32, #tpu.memory_space<vmem>>
      %get3A_256 = tpu.memref_squeeze %get3A_255 : memref<1x128xf32, #tpu.memory_space<vmem>> -> memref<128xf32, #tpu.memory_space<vmem>>
      %get3A_257 = arith.constant 16 : index
      %get3A_258 = tpu.vector_load %get3A_256[%get3A_257] {strides = array<i32>} : memref<128xf32, #tpu.memory_space<vmem>>, vector<16xf32>,
      %get3A_259 = vector.shape_cast %get3A_258 : vector<16xf32> to vector<16xf32>
      %swap3A_260 = arith.constant 0 : i32
      %swap3A_261 = tpu.memref_slice %arg14[%scan3A_242, %swap3A_260] : memref<128x176xf32, #tpu.memory_space<vmem>> -> memref<1x176xf32, #tpu.memory_space<vmem>>
      %swap3A_262 = tpu.memref_squeeze %swap3A_261 : memref<1x176xf32, #tpu.memory_space<vmem>> -> memref<176xf32, #tpu.memory_space<vmem>>
      %swap3A_263 = arith.constant 144 : index
      %swap3A_264 = tpu.vector_load %swap3A_262[%swap3A_263] {strides = array<i32>} : memref<176xf32, #tpu.memory_space<vmem>>, vector<16xf32>,
      %swap3A_265 = vector.shape_cast %swap3A_264 : vector<16xf32> to vector<16xf32>
      %swap3A_266 = vector.shape_cast %get3A_259 : vector<16xf32> to vector<16xf32>
      tpu.vector_store %swap3A_262[%swap3A_263], %swap3A_266 {strides = array<i32>} : memref<176xf32, #tpu.memory_space<vmem>>, vector<16xf32>,
      %get3A_267 = arith.constant 0 : i32
      %get3A_268 = tpu.memref_slice %arg12[%scan3A_242, %get3A_267] : memref<128x128xf32, #tpu.memory_space<vmem>> -> memref<1x128xf32, #tpu.memory_space<vmem>>
      %get3A_269 = tpu.memref_squeeze %get3A_268 : memref<1x128xf32, #tpu.memory_space<vmem>> -> memref<128xf32, #tpu.memory_space<vmem>>
      %get3A_270 = arith.constant 32 : index
      %get3A_271 = tpu.vector_load %get3A_269[%get3A_270] {strides = array<i32>} : memref<128xf32, #tpu.memory_space<vmem>>, vector<16xf32>,
      %get3A_272 = vector.shape_cast %get3A_271 : vector<16xf32> to vector<16xf32>
      %swap3A_273 = arith.constant 0 : i32
      %swap3A_274 = tpu.memref_slice %arg14[%scan3A_242, %swap3A_273] : memref<128x176xf32, #tpu.memory_space<vmem>> -> memref<1x176xf32, #tpu.memory_space<vmem>>
      %swap3A_275 = tpu.memref_squeeze %swap3A_274 : memref<1x176xf32, #tpu.memory_space<vmem>> -> memref<176xf32, #tpu.memory_space<vmem>>
      %swap3A_276 = arith.constant 160 : index
      %swap3A_277 = tpu.vector_load %swap3A_275[%swap3A_276] {strides = array<i32>} : memref<176xf32, #tpu.memory_space<vmem>>, vector<16xf32>,
      %swap3A_278 = vector.shape_cast %swap3A_277 : vector<16xf32> to vector<16xf32>
      %swap3A_279 = vector.shape_cast %get3A_272 : vector<16xf32> to vector<16xf32>
      tpu.vector_store %swap3A_275[%swap3A_276], %swap3A_279 {strides = array<i32>} : memref<176xf32, #tpu.memory_space<vmem>>, vector<16xf32>,
    }
    %scan3A_223 = arith.constant 128 : i32
    %add3A_224 = arith.constant 6272 : i32
    %add3A_225 = arith.addi %mul3A_2, %add3A_224 : i32
    %dma_start3A_226 = arith.constant 0 : i32
    %dma_start3A_227 = tpu.memref_slice %arg6[%add3A_225, %dma_start3A_226] : memref<204800x176xf32, #tpu.memory_space<hbm>> -> memref<128x176xf32, #tpu.memory_space<hbm>>
    %dma_start3A_228 = arith.constant 0 : i32
    %dma_start3A_229 = tpu.memref_slice %arg6[%add3A_225, %dma_start3A_228] : memref<204800x176xf32, #tpu.memory_space<hbm>> -> memref<128x176xf32, #tpu.memory_space<hbm>>
    tpu.enqueue_dma source(%arg14 : memref<128x176xf32, #tpu.memory_space<vmem>>) target(%dma_start3A_229 : memref<128x176xf32, #tpu.memory_space<hbm>>) target_semaphore(%arg20 : memref<!tpu.dma_semaphore, #tpu.memory_space<semaphore_mem>>)
    %dma_wait3A_230 = arith.constant 0 : i32
    %dma_wait3A_231 = arith.constant 0 : i32
    %dma_wait3A_232 = tpu.memref_slice %arg6[%dma_wait3A_230, %dma_wait3A_231] : memref<204800x176xf32, #tpu.memory_space<hbm>> -> memref<128x176xf32, #tpu.memory_space<hbm>>
    %dma_wait3A_233 = arith.constant 0 : i32
    %dma_wait3A_234 = arith.constant 0 : i32
    %dma_wait3A_235 = tpu.memref_slice %arg6[%dma_wait3A_233, %dma_wait3A_234] : memref<204800x176xf32, #tpu.memory_space<hbm>> -> memref<128x176xf32, #tpu.memory_space<hbm>>
    tpu.wait_dma2 semaphore(%arg19 : memref<!tpu.dma_semaphore, #tpu.memory_space<semaphore_mem>>) src(%arg13 : memref<128x176xf32, #tpu.memory_space<vmem>>) dst(%dma_wait3A_235 : memref<128x176xf32, #tpu.memory_space<hbm>>)
    %dma_wait3A_236 = arith.constant 0 : i32
    %dma_wait3A_237 = arith.constant 0 : i32
    %dma_wait3A_238 = tpu.memref_slice %arg6[%dma_wait3A_236, %dma_wait3A_237] : memref<204800x176xf32, #tpu.memory_space<hbm>> -> memref<128x176xf32, #tpu.memory_space<hbm>>
    %dma_wait3A_239 = arith.constant 0 : i32
    %dma_wait3A_240 = arith.constant 0 : i32
    %dma_wait3A_241 = tpu.memref_slice %arg6[%dma_wait3A_239, %dma_wait3A_240] : memref<204800x176xf32, #tpu.memory_space<hbm>> -> memref<128x176xf32, #tpu.memory_space<hbm>>
    tpu.wait_dma2 semaphore(%arg20 : memref<!tpu.dma_semaphore, #tpu.memory_space<semaphore_mem>>) src(%arg14 : memref<128x176xf32, #tpu.memory_space<vmem>>) dst(%dma_wait3A_241 : memref<128x176xf32, #tpu.memory_space<hbm>>)
    return
  }
}

</mosaic_0001>

<sc_bundles>
// kernel: kernel.3.cloned.1.call-start
scs
__scs_entry_jumppad:
0x0: {  	(pc) =	sbr.rel $0x88, $3  }
0x1: {  	(tag) =	ssettag $0x0;
	lr =	simm.s32 $0x1  }
0x2: {  	[smem:$0x3F9B] =	sst lr;
	_ =	strace $0xD0000000  }
0x3: {  	_ = 	snop  }
0x4: {  	_ = 	snop  }
0x5: {  	_ = 	snop  }
0x6: {  	_ = 	snop  }
0x7: {  	_ = 	snop  }
__scs_overlays_trampoline_lowered:
0x8: {  	[smem:$0x3FAA] =	sst s0  }
0x9: {  	[smem:$0x3FAB] =	sst s1  }
0xa: {  	[smem:$0x3FAC] =	sst s2  }
0xb: {  	[smem:$0x3FAD] =	sst s3  }
0xc: {  	[smem:$0x3FAE] =	sst s4  }
0xd: {  	[smem:$0x3FAF] =	sst s5  }
0xe: {  	[smem:$0x3FB0] =	sst s6  }
0xf: {  	[smem:$0x3FB1] =	sst s7  }
0x10: {  	[smem:$0x3FB2] =	sst s8  }
0x11: {  	[smem:$0x3FB3] =	sst s9;
	s0 =	simm.s32 @!p0 $0x0  }
0x12: {  	s1 =	sld [smem:$0x3F99];
	s0 =	simm.s32 @p0 $0x1  }
0x13: {  	[smem:$0x3FB4] =	sst s0;
	s0 =	simm.s32 @!p1 $0x0  }
0x14: {  	s2 =	sld [smem:$0x3F98];
	s0 =	simm.s32 @p1 $0x1  }
0x15: {  	[smem:$0x3FB5] =	sst s0;
	s0 =	simm.s32 @!p2 $0x0  }
0x16: {  	s3 =	sld [smem:$0x3FDB];
	s0 =	simm.s32 @p2 $0x1  }
0x17: {  	s4 =	simm.s32 $0x1BF5;
	[smem:$0x3FB7] =	sst s0  }
0x18: {  	s0 =	sld [smem:$0x3F9A];
	_ =	swait.ge [sflag:s4], $0x0  }
0x19: {  	s7 =	sld [smem:$0x3F9B]  }
0x1a: {  	s8 =	sadd.s32 $0xFFFFE003, lr  }
0x1b: {  	s9 =	sadd.s32 $0xFFFFFEF7, lr;
	s5 =	simm.s32 $0xFFFFFFFF;
	p2 =	slt.u32 s8, $0xFFFFF086  }
0x1c: {  	p1 =	slt.u32 s9, $0xF7A;
	s5 =	simm.s32 @!p2 $0x0  }
0x1d: {  	s5 =	simm.s32 @p1 $0x1;
	p0 =	seq.s32 s7, s2  }
0x1e: {  	s7 =	smul.u32 @!p0 $0xF7A, s2;
	p2 =	seq.s32 @!p0 s5, $0x0  }
0x1f: {  	s9 =	smul.u32 $0xF7A, s1;
	s8 =	simm.s32 @!p0 $0x1BF5;
	p2 =	por !p2, p0  }
0x20: {  	[sflag:s8] =	ssyncset.s32 @!p0 $0xFFFFF086;
	s6 =	sadd.s32 @!p0 s3, s7;
	s7 =	simm.s32 @!p0 $0x108  }
0x21: {  	s3 =	sadd.s32 s3, s9;
	s6 =	sadd.s32 @!p0 $0x88, s6;
	s7 =	simm.s32 @p2 $0x1082  }
0x22: {  	[simem:s7], [sflag:s8] =	dma.local @!p0 [hbm:s6], $0xF7A  }
0x23: {  	s9 =	sor.u32 $0xD0000000, s2;
	s6 =	simm.s32 $0x108;
	_ =	swait.ge @!p0 [sflag:s8], $0x0  }
0x24: {  	s3 =	sadd.s32 $0x88, s3;
	s6 =	simm.s32 @!p1 $0x1082;
	[sflag:s4] =	ssyncset.s32 $0xFFFFF086  }
0x25: {  	[simem:s6], [sflag:s4] =	dma.local [hbm:s3], $0xF7A  }
0x26: {  	[smem:$0x3F9B] =	sst s1;
	(tag) =	ssettag s2;
	_ =	strace s9  }
0x27: {  	s1 =	sld [smem:$0x3FAB]  }
0x28: {  	s2 =	sld [smem:$0x3FAC]  }
0x29: {  	s4 =	sld [smem:$0x3FAE]  }
0x2a: {  	p0 =	seq.s32 s5, $0x0;
	s5 =	sld [smem:$0x3FAF]  }
0x2b: {  	s6 =	sld [smem:$0x3FB0]  }
0x2c: {  	s7 =	sld [smem:$0x3FB1]  }
0x2d: {  	s3 =	simm.s32 $0x108;
	s8 =	sld [smem:$0x3FB2]  }
0x2e: {  	s3 =	simm.s32 @!p0 $0x1082;
	s9 =	sld [smem:$0x3FB3]  }
0x2f: {  	lr =	sadd.s32 s0, s3;
	s0 =	sld [smem:$0x3FAA]  }
0x30: {  	s3 =	sld [smem:$0x3FAD]  }
0x31: {  	[smem:$0x3FB6] =	sst s10  }
0x32: {  	s10 =	sld [smem:$0x3FB4];
	_ =	sdelay $0x3  }
0x33: {  	p0 =	seq.s32 s10, $0x1;
	s10 =	sld [smem:$0x3FB6];
	_ =	sdelay $0x3  }
0x34: {  	[smem:$0x3FB6] =	sst s10  }
0x35: {  	s10 =	sld [smem:$0x3FB5];
	_ =	sdelay $0x3  }
0x36: {  	p1 =	seq.s32 s10, $0x1;
	s10 =	sld [smem:$0x3FB6];
	_ =	sdelay $0x3  }
0x37: {  	[smem:$0x3FB6] =	sst s10  }
0x38: {  	s10 =	sld [smem:$0x3FB7]  }
0x39: {  	_ = 	snop;
	(pc) =	sbr.ind lr, $3  }
0x3a: {  	_ = 	snop  }
0x3b: {  	_ = 	snop  }
0x3c: {  	p2 =	seq.s32 s10, $0x1;
	s10 =	sld [smem:$0x3FB6]  }
0x3d: {  	_ =	shalt  }
0x3e: {  	_ =	shalt  }
0x3f: {  	_ =	shalt  }
0x40: {  	_ =	shalt  }
0x41: {  	_ =	shalt  }
0x42: {  	_ =	shalt  }
0x43: {  	_ =	shalt  }
0x44: {  	_ =	shalt  }
0x45: {  	_ =	shalt  }
0x46: {  	_ =	shalt  }
0x47: {  	_ =	shalt  }
0x48: {  	_ =	shalt  }
0x49: {  	_ =	shalt  }
0x4a: {  	_ =	shalt  }
0x4b: {  	_ =	shalt  }
0x4c: {  	_ =	shalt  }
0x4d: {  	_ =	shalt  }
0x4e: {  	_ =	shalt  }
0x4f: {  	_ =	shalt  }
0x50: {  	_ =	shalt  }
0x51: {  	_ =	shalt  }
0x52: {  	_ =	shalt  }
0x53: {  	_ =	shalt  }
0x54: {  	_ =	shalt  }
0x55: {  	_ =	shalt  }
0x56: {  	_ =	shalt  }
0x57: {  	_ =	shalt  }
0x58: {  	_ =	shalt  }
0x59: {  	_ =	shalt  }
0x5a: {  	_ =	shalt  }
0x5b: {  	_ =	shalt  }
0x5c: {  	_ =	shalt  }
0x5d: {  	_ =	shalt  }
0x5e: {  	_ =	shalt  }
0x5f: {  	_ =	shalt  }
0x60: {  	_ =	shalt  }
0x61: {  	_ =	shalt  }
0x62: {  	_ =	shalt  }
0x63: {  	_ =	shalt  }
0x64: {  	_ =	shalt  }
0x65: {  	_ =	shalt  }
0x66: {  	_ =	shalt  }
0x67: {  	_ =	shalt  }
0x68: {  	_ =	shalt  }
0x69: {  	_ =	shalt  }
0x6a: {  	_ =	shalt  }
0x6b: {  	_ =	shalt  }
0x6c: {  	_ =	shalt  }
0x6d: {  	_ =	shalt  }
0x6e: {  	_ =	shalt  }
0x6f: {  	_ =	shalt  }
0x70: {  	_ =	shalt  }
0x71: {  	_ =	shalt  }
0x72: {  	_ =	shalt  }
0x73: {  	_ =	shalt  }
0x74: {  	_ =	shalt  }
0x75: {  	_ =	shalt  }
0x76: {  	_ =	shalt  }
0x77: {  	_ =	shalt  }
0x78: {  	_ =	shalt  }
0x79: {  	_ =	shalt  }
0x7a: {  	_ =	shalt  }
0x7b: {  	_ =	shalt  }
0x7c: {  	_ =	shalt  }
0x7d: {  	_ =	shalt  }
0x7e: {  	_ =	shalt  }
0x7f: {  	_ =	shalt  }
0x80: {  	_ =	shalt  }
0x81: {  	_ =	shalt  }
0x82: {  	_ =	shalt  }
0x83: {  	_ =	shalt  }
0x84: {  	_ =	shalt  }
0x85: {  	_ =	shalt  }
0x86: {  	_ =	shalt  }
0x87: {  	_ =	shalt  }
.Lfunc_end0:
.L_simem_size_0:
called_computation.1_lowered:
.L_overlay_start_0:
0x88: {  	s2 =	sld [smem:$0x3FD9]  }
0x89: {  	s3 =	sld [smem:$0x3FFE];
	_ =	sdelay $0x1  }
0x8a: {  	s1 =	srdreg.scid  }
0x8b: {  	s0 =	sand.u32 $0x1, s1  }
0x8c: {  	s17 =	sshll.u32 s0, $0xA;
	s2 =	sadd.s32 s3, s2  }
0x8d: {  	s2 =	sadd.s32 s2, s17  }
0x8e: {  	[smem:$0x3FC2] =	sst s2  }
0x8f: {  	_ = 	snop  }
0x90: {  	s2 =	sld [smem:$0x3FC6]  }
0x91: {  	s18 =	sld [smem:$0x3FD0];
	(tm) =	ssettm $0x1  }
0x92: {  	s4 =	sld [smem:$0x3FFB];
	_ =	sdelay $0x3  }
0x93: {  	_ =	strace s4  }
0x94: {  	s4 =	sld [smem:$0x3FFC];
	_ =	sdelay $0x3  }
0x95: {  	_ =	strace s4  }
0x96: {  	s4 =	sld [smem:$0x3FFD];
	_ =	sdelay $0x3  }
0x97: {  	_ =	strace s4  }
0x98: {  	_ =	strace $0x8FFFFFFF  }
0x99: {  	s19 =	sld [smem:$0x3FDB];
	_ =	sdelay $0x1  }
0x9a: {  	s5 =	simm.s32 $_scs_section_size  }
0x9b: {  	s6 =	simm.s32 $_size__tile_overlayer_lowered;
	s7 =	simm.s32 $_tile_overlayer_lowered  }
0x9c: {  	s22 =	simm.s32 $0x1BFF;
	s21 =	sshll.u32 s7, $0x1;
	s4 =	sadd.s32 s5, s19  }
0x9d: {  	s8 =	simm.s32 $0x0;
	s20 =	sshll.u32 s6, $0x1;
	s6 =	sadd.s32 s21, s4  }
0x9e: {  	[timem:s8], [sflag:s22] =	dma.local [hbm:s6], s20  }
0x9f: {  	_ =	swait.ge [sflag:s22], s20  }
0xa0: {  	s5 =	ssub.s32 $0x0, s20;
	[sflag:s22] =	ssyncset.done $0x0  }
0xa1: {  	[sflag:s22] =	ssyncadd.s32 s5;
	_ =	sdelay $0x1  }
0xa2: {  	s23 =	simm.s32 $0x1B8B  }
0xa3: {  	_ =	swait.ge [sflag:s23], $0x1  }
0xa4: {  	[sflag:s23] =	ssyncset.done $0x0  }
0xa5: {  	s25 =	simm.s32 $0x1B8E;
	s24 =	sld [smem:$0x3FFE];
	[sflag:s23] =	ssyncadd.s32 $0xFFFFFFFF  }
0xa6: {  	s26 =	simm.s32 $execute0_lowered;
	[smem:$0x3FD2] =	sst s25  }
0xa7: {  	s6 =	sshll.u32 s26, $0x1;
	_ =	strace $0x80000046;
	[dreg:$0x1] =	wrdreg $0xFFFFFFFF  }
0xa8: {  	s28 =	simm.s32 $_size_execute0_lowered;
	s4 =	sadd.s32 s4, s6;
	[dreg:$0x0] =	wrdreg $0x0  }
0xa9: {  	s6 =	sshll.u32 s28, $0x1;
	[dreg:$0x2] =	wrdreg s4  }
0xaa: {  	[dreg:$0x3] =	wrdreg s6  }
0xab: {  	[dreg:$0x4] =	wrdreg $0xC0  }
0xac: {  	_ =	task [dreg:s8], $0x5FFFF  }
0xad: {  	[dreg:$0x1] =	wrdreg $0xFFFFFFFF  }
0xae: {  	[dreg:$0x0] =	wrdreg $0x60  }
0xaf: {  	[dreg:$0x2] =	wrdreg s18  }
0xb0: {  	[dreg:$0x3] =	wrdreg s24  }
0xb1: {  	[dreg:$0x4] =	wrdreg s2  }
0xb2: {  	[dreg:$0x5] =	wrdreg $0x9  }
0xb3: {  	_ =	task.clear_ibuf [dreg:s8], $0x6FFFF;
	_ =	strace $0x90000046  }
0xb4: {  	s29 =	simm.s32 $0x9;
	_ =	strace $0x80000048  }
0xb5: {  	_ =	swait.ge [sflag:s29], $0x1  }
0xb6: {  	[sflag:s29] =	ssyncadd.s32 $0xFFFFFFFF  }
0xb7: {  	_ =	strace $0x90000048  }
0xb8: {  	_ =	sfence  }
0xb9: {  	s30 =	sld [smem:$0x0];
	_ =	sdelay $0x2  }
0xba: {  	s31 =	sshll.u32 s1, $0xD;
	s1 =	sshrl.u32 s1, $0x2  }
0xbb: {  	s3 =	sand.u32 $0x4000, s31;
	s1 =	sadd.s32 s1, s30  }
0xbc: {  	s0 =	sor.u32 s3, s0;
	s1 =	sshll.u32 s1, $0x11  }
0xbd: {  	s0 =	sor.u32 s1, s0  }
0xbe: {  	s0 =	sadd.s32 $0x8F2B, s0  }
0xbf: {  	[sflag:s0] =	ssyncadd.remote.s32 $0x1  }
0xc0: {  	_ =	sfence.sel $0xFFFF  }
0xc1: {  	[dreg:$0x0] =	wrdreg $0xFFFFFFFF;
	(pc) =	sbr.abs _section_cstart, $3  }
0xc2: {  	[dreg:$0x1] =	wrdreg $0xFFFFFFFF  }
0xc3: {  	_ =	task.clear_ibuf [dreg:s8], $0x2FFFF;
	_ =	strace $0x9FFFFFFF  }
0xc4: {  	(tm) =	ssettm $0x7FFFFFFF  }
0xc5: {  	_ =	shalt  }
tec
execute0_lowered:
.L_overlay_start_1:
0x0: {  	(tag) =	ssettag $0x1  }
0x1: {  	s1 =	rddreg [dreg:$0x0]  }
0x2: {  	s0 =	rddreg [dreg:$0x1];
	s2 =	srdreg.scid  }
0x3: {  	s4 =	stileid.u32;
	s3 =	rddreg [dreg:$0x2]  }
0x4: {  	s28 =	simm.s32 $0x180;
	s29 =	simm.s32 $0x3;
	s30 =	simm.s32 $0x8200  }
0x5: {  	s31 =	simm.s32 $0x4;
	s2 =	sand.u32 $0x1, s2;
	s5 =	sshll.u32 s4, $0x1  }
0x6: {  	s4 =	simm.s32 $0x0;
	s6 =	sadd.s32 $0x6C00, s0;
	s8 =	sor.u32 s2, s5  }
0x7: {  	s7 =	sadd.s32 $0xCA00, s0;
	[smem:$0x7FF] =	sst s4;
	s9 =	smul.u32 $0x1900, s8  }
0x8: {  	s5 =	sadd.s32 $0x800, s0;
	s2 =	ssub.s32 $0x2, s2;
	s17 =	smul.u32 $0x32000, s8  }
0x9: {  	_ =	strace $0x80000047;
	s10 =	sshrl.u32 s2, $0x1;
	s8 =	smul.u32 $0x190000, s8  }
0xa: {  	s13 =	ssub.s32 s2, s10;
	s10 =	simm.s32 $0x5;
	s11 =	sshrl.u32 s9, $0x3  }
0xb: {  	s12 =	sadd.s32 $0x100, s9;
	s18 =	sadd.s32 s7, s17;
	s17 =	sadd.s32 $0x180, s9  }
0xc: {  	s21 =	sshrl.u32 s8, $0x3;
	s0 =	smax.u32 s13, $0x1;
	[dreg:$0x8] =	wrdreg s18  }
0xd: {  	s22 =	sadd.s32 $0x1880, s9;
	s14 =	sadd.s32 s1, s11;
	[dreg:$0x10] =	wrdreg s0  }
0xe: {  	s15 =	sadd.s32 s5, s11;
	s16 =	sor.u32 $0x10, s11;
	[dreg:$0x4] =	wrdreg s14  }
0xf: {  	s19 =	sshrl.u32 s12, $0x3;
	[dreg:$0x5] =	wrdreg s15;
	s11 =	sadd.s32 s1, s16  }
0x10: {  	s18 =	sadd.s32 $0x200, s9;
	s2 =	sadd.s32 s5, s16;
	[dreg:$0x6] =	wrdreg s11  }
0x11: {  	s23 =	sshrl.u32 s22, $0x3;
	s20 =	sadd.s32 s1, s19;
	[dreg:$0x7] =	wrdreg s2  }
0x12: {  	s8 =	sshll.u32 s22, $0x5;
	s25 =	sadd.s32 s1, s23;
	[dreg:$0x9] =	wrdreg s20  }
0x13: {  	s16 =	sor.u32 $0x80, s9;
	s9 =	sadd.s32 s5, s23;
	[dreg:$0xc] =	wrdreg s25  }
0x14: {  	s13 =	simm.s32 $0x6;
	s26 =	sadd.s32 s7, s8;
	[dreg:$0xd] =	wrdreg s9  }
0x15: {  	s8 =	simm.s32 $0x4200;
	s2 =	sadd.s32 s5, s19;
	[dreg:$0xf] =	wrdreg s26  }
0x16: {  	s14 =	simm.s32 $0x0;
	[dreg:$0xa] =	wrdreg s2;
	s2 =	sadd.s32 s7, s21  }
0x17: {  	v2 =	vlaneseq.u32;
	s25 =	simm.s32 $0x100;
	s26 =	simm.s32 $0x80;
	s24 =	sadd.s32 $0x2F000, s2  }
0x18: {  	vm0 =	vmmov $0xff;
	v1 =	vshrl.u32 v2, $0x3;
	s9 =	simm.s32 $0x1;
	s2 =	sadd.s32 $0x30000, s2;
	[dreg:$0xb] =	wrdreg s24  }
0x19: {  	v0 =	vand.u32 $0x7, v2;
	v2 =	vor.u32 $0x8, v2;
	v1 =	vmul.u32 $0x8, v1;
	s11 =	simm.s32 $0x2;
	[dreg:$0xe] =	wrdreg s2;
	s2 =	simm.s32 $0x10200  }
.LBB2_1:
0x1a: {  	[dreg:$0x11] =	wrdreg s14  }
0x1b: {  	s0 =	rddreg [dreg:$0x4]  }
0x1c: {  	[tilespmem:s4], [sflag:$0x3] =	stream.linear.gather [hbm4b:s0+s4], $0x80, $0x38;
	[tilespmem:$0x18200] =	vst v63  }
0x1d: {  	s22 =	rddreg [dreg:$0x5]  }
0x1e: {  	[tilespmem:s25], [sflag:$0x3] =	stream.linear.gather [hbm4b:s22+s4], $0x80, $0x38;
	[tilespmem:$0x18200] =	vst v63  }
0x1f: {  	s23 =	rddreg [dreg:$0x6]  }
0x20: {  	[tilespmem:s26], [sflag:$0x4] =	stream.linear.gather [hbm4b:s23+s4], $0x80, $0x38;
	[tilespmem:$0x18200] =	vst v63  }
0x21: {  	s24 =	rddreg [dreg:$0x7]  }
0x22: {  	[tilespmem:s28], [sflag:$0x4] =	stream.linear.gather [hbm4b:s24+s4], $0x80, $0x38;
	[tilespmem:$0x18200] =	vst v63  }
0x23: {  	_ =	swait.ge [sflag:s29], $0x80  }
0x24: {  	[sflag:s29] =	ssyncset.done $0x0  }
0x25: {  	[sflag:s29] =	ssyncadd.s32 $0xFFFFFF80  }
0x26: {  	_ =	swait.ge [sflag:s29], $0x80  }
0x27: {  	[sflag:s29] =	ssyncset.done $0x0  }
0x28: {  	[sflag:s29] =	ssyncadd.s32 $0xFFFFFF80  }
0x29: {  	v3 =	vld [tilespmem:$0x0];
	_ =	sdelay $0x4  }
0x2a: {  	v4 =	vperm.xlane v3, v0;
	_ =	sdelay $0x1  }
0x2b: {  	v3 =	vperm.xlane v3, v2;
	v4 =	vadd.s32 v1, v4;
	_ =	sdelay $0x1  }
0x2c: {  	v3 =	vadd.s32 v1, v3;
	_ =	sdelay $0x2  }
0x2d: {  	[tilespmem:s30], [sflag:$0x1] =	stream.indirect_vreg.gather [hbm4b:s3+s4], $0x80, v4, vm0, $0xb8;
	[tilespmem:$0x18200] =	vst v63  }
0x2e: {  	s14 =	simm.s32 $0x8A00  }
0x2f: {  	[tilespmem:s14], [sflag:$0x1] =	stream.indirect_vreg.gather [hbm4b:s3+s4], $0x80, v3, vm0, $0xb8;
	[tilespmem:$0x18200] =	vst v63  }
0x30: {  	v3 =	vld [tilespmem:$0x10];
	_ =	sdelay $0x4  }
0x31: {  	v4 =	vperm.xlane v3, v0;
	_ =	sdelay $0x1  }
0x32: {  	v3 =	vperm.xlane v3, v2;
	v4 =	vadd.s32 v1, v4;
	_ =	sdelay $0x1  }
0x33: {  	v3 =	vadd.s32 v1, v3;
	_ =	sdelay $0x1  }
0x34: {  	s15 =	simm.s32 $0x9200  }
0x35: {  	[tilespmem:s15], [sflag:$0x1] =	stream.indirect_vreg.gather [hbm4b:s3+s4], $0x80, v4, vm0, $0xb8;
	[tilespmem:$0x18200] =	vst v63  }
0x36: {  	s19 =	simm.s32 $0x9A00  }
0x37: {  	[tilespmem:s19], [sflag:$0x1] =	stream.indirect_vreg.gather [hbm4b:s3+s4], $0x80, v3, vm0, $0xb8;
	[tilespmem:$0x18200] =	vst v63  }
0x38: {  	v3 =	vld [tilespmem:$0x20];
	_ =	sdelay $0x4  }
0x39: {  	v4 =	vperm.xlane v3, v0;
	_ =	sdelay $0x1  }
0x3a: {  	v3 =	vperm.xlane v3, v2;
	v4 =	vadd.s32 v1, v4;
	_ =	sdelay $0x1  }
0x3b: {  	v3 =	vadd.s32 v1, v3;
	_ =	sdelay $0x1  }
0x3c: {  	s20 =	simm.s32 $0xA200  }
0x3d: {  	[tilespmem:s20], [sflag:$0x1] =	stream.indirect_vreg.gather [hbm4b:s3+s4], $0x80, v4, vm0, $0xb8;
	[tilespmem:$0x18200] =	vst v63  }
0x3e: {  	s21 =	simm.s32 $0xAA00  }
0x3f: {  	[tilespmem:s21], [sflag:$0x1] =	stream.indirect_vreg.gather [hbm4b:s3+s4], $0x80, v3, vm0, $0xb8;
	[tilespmem:$0x18200] =	vst v63  }
0x40: {  	v3 =	vld [tilespmem:$0x30];
	_ =	sdelay $0x4  }
0x41: {  	v4 =	vperm.xlane v3, v0;
	_ =	sdelay $0x1  }
0x42: {  	v3 =	vperm.xlane v3, v2;
	v4 =	vadd.s32 v1, v4;
	_ =	sdelay $0x1  }
0x43: {  	v3 =	vadd.s32 v1, v3;
	_ =	sdelay $0x1  }
0x44: {  	s22 =	simm.s32 $0xB200  }
0x45: {  	[tilespmem:s22], [sflag:$0x1] =	stream.indirect_vreg.gather [hbm4b:s3+s4], $0x80, v4, vm0, $0xb8;
	[tilespmem:$0x18200] =	vst v63  }
0x46: {  	s23 =	simm.s32 $0xBA00  }
0x47: {  	[tilespmem:s23], [sflag:$0x1] =	stream.indirect_vreg.gather [hbm4b:s3+s4], $0x80, v3, vm0, $0xb8;
	[tilespmem:$0x18200] =	vst v63  }
0x48: {  	v3 =	vld [tilespmem:$0x40];
	_ =	sdelay $0x4  }
0x49: {  	v4 =	vperm.xlane v3, v0;
	_ =	sdelay $0x1  }
0x4a: {  	v3 =	vperm.xlane v3, v2;
	v4 =	vadd.s32 v1, v4;
	_ =	sdelay $0x1  }
0x4b: {  	v3 =	vadd.s32 v1, v3;
	_ =	sdelay $0x1  }
0x4c: {  	s24 =	simm.s32 $0xC200  }
0x4d: {  	[tilespmem:s24], [sflag:$0x1] =	stream.indirect_vreg.gather [hbm4b:s3+s4], $0x80, v4, vm0, $0xb8;
	[tilespmem:$0x18200] =	vst v63  }
0x4e: {  	s14 =	simm.s32 $0xCA00  }
0x4f: {  	[tilespmem:s14], [sflag:$0x1] =	stream.indirect_vreg.gather [hbm4b:s3+s4], $0x80, v3, vm0, $0xb8;
	[tilespmem:$0x18200] =	vst v63  }
0x50: {  	v3 =	vld [tilespmem:$0x50];
	_ =	sdelay $0x4  }
0x51: {  	v4 =	vperm.xlane v3, v0;
	_ =	sdelay $0x1  }
0x52: {  	v3 =	vperm.xlane v3, v2;
	v4 =	vadd.s32 v1, v4;
	_ =	sdelay $0x1  }
0x53: {  	v3 =	vadd.s32 v1, v3;
	_ =	sdelay $0x1  }
0x54: {  	s15 =	simm.s32 $0xD200  }
0x55: {  	[tilespmem:s15], [sflag:$0x1] =	stream.indirect_vreg.gather [hbm4b:s3+s4], $0x80, v4, vm0, $0xb8;
	[tilespmem:$0x18200] =	vst v63  }
0x56: {  	s19 =	simm.s32 $0xDA00  }
0x57: {  	[tilespmem:s19], [sflag:$0x1] =	stream.indirect_vreg.gather [hbm4b:s3+s4], $0x80, v3, vm0, $0xb8;
	[tilespmem:$0x18200] =	vst v63  }
0x58: {  	v3 =	vld [tilespmem:$0x60];
	_ =	sdelay $0x4  }
0x59: {  	v4 =	vperm.xlane v3, v0;
	_ =	sdelay $0x1  }
0x5a: {  	v3 =	vperm.xlane v3, v2;
	v4 =	vadd.s32 v1, v4;
	_ =	sdelay $0x1  }
0x5b: {  	v3 =	vadd.s32 v1, v3;
	_ =	sdelay $0x1  }
0x5c: {  	s20 =	simm.s32 $0xE200  }
0x5d: {  	[tilespmem:s20], [sflag:$0x1] =	stream.indirect_vreg.gather [hbm4b:s3+s4], $0x80, v4, vm0, $0xb8;
	[tilespmem:$0x18200] =	vst v63  }
0x5e: {  	s21 =	simm.s32 $0xEA00  }
0x5f: {  	[tilespmem:s21], [sflag:$0x1] =	stream.indirect_vreg.gather [hbm4b:s3+s4], $0x80, v3, vm0, $0xb8;
	[tilespmem:$0x18200] =	vst v63  }
0x60: {  	v3 =	vld [tilespmem:$0x70];
	_ =	sdelay $0x4  }
0x61: {  	v4 =	vperm.xlane v3, v0;
	_ =	sdelay $0x1  }
0x62: {  	v3 =	vperm.xlane v3, v2;
	v4 =	vadd.s32 v1, v4;
	_ =	sdelay $0x1  }
0x63: {  	v3 =	vadd.s32 v1, v3;
	_ =	sdelay $0x1  }
0x64: {  	s22 =	simm.s32 $0xF200  }
0x65: {  	[tilespmem:s22], [sflag:$0x1] =	stream.indirect_vreg.gather [hbm4b:s3+s4], $0x80, v4, vm0, $0xb8;
	[tilespmem:$0x18200] =	vst v63  }
0x66: {  	s23 =	simm.s32 $0xFA00  }
0x67: {  	[tilespmem:s23], [sflag:$0x1] =	stream.indirect_vreg.gather [hbm4b:s3+s4], $0x80, v3, vm0, $0xb8;
	[tilespmem:$0x18200] =	vst v63  }
0x68: {  	s24 =	simm.s32 $0x200  }
0x69: {  	[tilespmem:s24], [sflag:$0x1] =	stream.indirect.gather [hbm4b:s6+s26], $0x80, s25, s26, $0xb8;
	[tilespmem:$0x18200] =	vst v63  }
0x6a: {  	_ =	swait.ge [sflag:s31], $0x80  }
0x6b: {  	[sflag:s31] =	ssyncset.done $0x0  }
0x6c: {  	[sflag:s31] =	ssyncadd.s32 $0xFFFFFF80  }
0x6d: {  	_ =	swait.ge [sflag:s31], $0x80  }
0x6e: {  	[sflag:s31] =	ssyncset.done $0x0  }
0x6f: {  	[sflag:s31] =	ssyncadd.s32 $0xFFFFFF80  }
0x70: {  	v3 =	vld [tilespmem:$0x80];
	_ =	sdelay $0x4  }
0x71: {  	v4 =	vperm.xlane v3, v0;
	_ =	sdelay $0x1  }
0x72: {  	v3 =	vperm.xlane v3, v2;
	v4 =	vadd.s32 v1, v4;
	_ =	sdelay $0x1  }
0x73: {  	v3 =	vadd.s32 v1, v3;
	_ =	sdelay $0x2  }
0x74: {  	[tilespmem:s2], [sflag:$0x2] =	stream.indirect_vreg.gather [hbm4b:s3+s4], $0x80, v4, vm0, $0xb8;
	[tilespmem:$0x18200] =	vst v63  }
0x75: {  	s14 =	simm.s32 $0x10A00  }
0x76: {  	[tilespmem:s14], [sflag:$0x2] =	stream.indirect_vreg.gather [hbm4b:s3+s4], $0x80, v3, vm0, $0xb8;
	[tilespmem:$0x18200] =	vst v63  }
0x77: {  	v3 =	vld [tilespmem:$0x90];
	_ =	sdelay $0x4  }
0x78: {  	v4 =	vperm.xlane v3, v0;
	_ =	sdelay $0x1  }
0x79: {  	v3 =	vperm.xlane v3, v2;
	v4 =	vadd.s32 v1, v4;
	_ =	sdelay $0x1  }
0x7a: {  	v3 =	vadd.s32 v1, v3;
	_ =	sdelay $0x1  }
0x7b: {  	s15 =	simm.s32 $0x11200  }
0x7c: {  	[tilespmem:s15], [sflag:$0x2] =	stream.indirect_vreg.gather [hbm4b:s3+s4], $0x80, v4, vm0, $0xb8;
	[tilespmem:$0x18200] =	vst v63  }
0x7d: {  	s19 =	simm.s32 $0x11A00  }
0x7e: {  	[tilespmem:s19], [sflag:$0x2] =	stream.indirect_vreg.gather [hbm4b:s3+s4], $0x80, v3, vm0, $0xb8;
	[tilespmem:$0x18200] =	vst v63  }
0x7f: {  	v3 =	vld [tilespmem:$0xA0];
	_ =	sdelay $0x4  }
0x80: {  	v4 =	vperm.xlane v3, v0;
	_ =	sdelay $0x1  }
0x81: {  	v3 =	vperm.xlane v3, v2;
	v4 =	vadd.s32 v1, v4;
	_ =	sdelay $0x1  }
0x82: {  	v3 =	vadd.s32 v1, v3;
	_ =	sdelay $0x1  }
0x83: {  	s20 =	simm.s32 $0x12200  }
0x84: {  	[tilespmem:s20], [sflag:$0x2] =	stream.indirect_vreg.gather [hbm4b:s3+s4], $0x80, v4, vm0, $0xb8;
	[tilespmem:$0x18200] =	vst v63  }
0x85: {  	s21 =	simm.s32 $0x12A00  }
0x86: {  	[tilespmem:s21], [sflag:$0x2] =	stream.indirect_vreg.gather [hbm4b:s3+s4], $0x80, v3, vm0, $0xb8;
	[tilespmem:$0x18200] =	vst v63  }
0x87: {  	v3 =	vld [tilespmem:$0xB0];
	_ =	sdelay $0x4  }
0x88: {  	v4 =	vperm.xlane v3, v0;
	_ =	sdelay $0x1  }
0x89: {  	v3 =	vperm.xlane v3, v2;
	v4 =	vadd.s32 v1, v4;
	_ =	sdelay $0x1  }
0x8a: {  	v3 =	vadd.s32 v1, v3;
	_ =	sdelay $0x1  }
0x8b: {  	s22 =	simm.s32 $0x13200  }
0x8c: {  	[tilespmem:s22], [sflag:$0x2] =	stream.indirect_vreg.gather [hbm4b:s3+s4], $0x80, v4, vm0, $0xb8;
	[tilespmem:$0x18200] =	vst v63  }
0x8d: {  	s23 =	simm.s32 $0x13A00  }
0x8e: {  	[tilespmem:s23], [sflag:$0x2] =	stream.indirect_vreg.gather [hbm4b:s3+s4], $0x80, v3, vm0, $0xb8;
	[tilespmem:$0x18200] =	vst v63  }
0x8f: {  	v3 =	vld [tilespmem:$0xC0];
	_ =	sdelay $0x4  }
0x90: {  	v4 =	vperm.xlane v3, v0;
	_ =	sdelay $0x1  }
0x91: {  	v3 =	vperm.xlane v3, v2;
	v4 =	vadd.s32 v1, v4;
	_ =	sdelay $0x1  }
0x92: {  	v3 =	vadd.s32 v1, v3;
	_ =	sdelay $0x1  }
0x93: {  	s24 =	simm.s32 $0x14200  }
0x94: {  	[tilespmem:s24], [sflag:$0x2] =	stream.indirect_vreg.gather [hbm4b:s3+s4], $0x80, v4, vm0, $0xb8;
	[tilespmem:$0x18200] =	vst v63  }
0x95: {  	s14 =	simm.s32 $0x14A00  }
0x96: {  	[tilespmem:s14], [sflag:$0x2] =	stream.indirect_vreg.gather [hbm4b:s3+s4], $0x80, v3, vm0, $0xb8;
	[tilespmem:$0x18200] =	vst v63  }
0x97: {  	v3 =	vld [tilespmem:$0xD0];
	_ =	sdelay $0x4  }
0x98: {  	v4 =	vperm.xlane v3, v0;
	_ =	sdelay $0x1  }
0x99: {  	v3 =	vperm.xlane v3, v2;
	v4 =	vadd.s32 v1, v4;
	_ =	sdelay $0x1  }
0x9a: {  	v3 =	vadd.s32 v1, v3;
	_ =	sdelay $0x1  }
0x9b: {  	s15 =	simm.s32 $0x15200  }
0x9c: {  	[tilespmem:s15], [sflag:$0x2] =	stream.indirect_vreg.gather [hbm4b:s3+s4], $0x80, v4, vm0, $0xb8;
	[tilespmem:$0x18200] =	vst v63  }
0x9d: {  	s19 =	simm.s32 $0x15A00  }
0x9e: {  	[tilespmem:s19], [sflag:$0x2] =	stream.indirect_vreg.gather [hbm4b:s3+s4], $0x80, v3, vm0, $0xb8;
	[tilespmem:$0x18200] =	vst v63  }
0x9f: {  	v3 =	vld [tilespmem:$0xE0];
	_ =	sdelay $0x4  }
0xa0: {  	v4 =	vperm.xlane v3, v0;
	_ =	sdelay $0x1  }
0xa1: {  	v3 =	vperm.xlane v3, v2;
	v4 =	vadd.s32 v1, v4;
	_ =	sdelay $0x1  }
0xa2: {  	v3 =	vadd.s32 v1, v3;
	_ =	sdelay $0x1  }
0xa3: {  	s20 =	simm.s32 $0x16200  }
0xa4: {  	[tilespmem:s20], [sflag:$0x2] =	stream.indirect_vreg.gather [hbm4b:s3+s4], $0x80, v4, vm0, $0xb8;
	[tilespmem:$0x18200] =	vst v63  }
0xa5: {  	s21 =	simm.s32 $0x16A00  }
0xa6: {  	[tilespmem:s21], [sflag:$0x2] =	stream.indirect_vreg.gather [hbm4b:s3+s4], $0x80, v3, vm0, $0xb8;
	[tilespmem:$0x18200] =	vst v63  }
0xa7: {  	v3 =	vld [tilespmem:$0xF0];
	_ =	sdelay $0x4  }
0xa8: {  	v4 =	vperm.xlane v3, v0;
	_ =	sdelay $0x1  }
0xa9: {  	v3 =	vperm.xlane v3, v2;
	v4 =	vadd.s32 v1, v4;
	_ =	sdelay $0x1  }
0xaa: {  	v3 =	vadd.s32 v1, v3;
	_ =	sdelay $0x1  }
0xab: {  	s22 =	simm.s32 $0x17200  }
0xac: {  	[tilespmem:s22], [sflag:$0x2] =	stream.indirect_vreg.gather [hbm4b:s3+s4], $0x80, v4, vm0, $0xb8;
	[tilespmem:$0x18200] =	vst v63  }
0xad: {  	s23 =	simm.s32 $0x17A00  }
0xae: {  	[tilespmem:s23], [sflag:$0x2] =	stream.indirect_vreg.gather [hbm4b:s3+s4], $0x80, v3, vm0, $0xb8;
	[tilespmem:$0x18200] =	vst v63  }
0xaf: {  	_ = 	snop  }
0xb0: {  	[tilespmem:s8], [sflag:$0x2] =	stream.indirect.gather [hbm4b:s6+s26], $0x80, s28, s26, $0xb8;
	[tilespmem:$0x18200] =	vst v63  }
0xb1: {  	_ =	swait.ge [sflag:s9], $0x4000  }
0xb2: {  	[sflag:s9] =	ssyncset.done $0x0  }
0xb3: {  	[sflag:s9] =	ssyncadd.s32 $0xFFFFC000  }
0xb4: {  	_ =	swait.ge [sflag:s9], $0x4000  }
0xb5: {  	[sflag:s9] =	ssyncset.done $0x0  }
0xb6: {  	s24 =	simm.s32 $0x220;
	[sflag:s9] =	ssyncadd.s32 $0xFFFFC000  }
0xb7: {  	v3 =	vld [tilespmem:s24+$0xFFFFFFE0];
	_ =	sdelay $0x2  }
0xb8: {  	s15 =	sand.u32 $0x7800, s4;
	s19 =	sand.u32 $0x380, s4  }
0xb9: {  	s15 =	sor.u32 s19, s15  }
0xba: {  	[tilespmem:s15+$0x8600] =	vst v3  }
0xbb: {  	v3 =	vld [tilespmem:s24+$0xFFFFFFF0];
	_ =	sdelay $0x4  }
0xbc: {  	[tilespmem:s15+$0x8610] =	vst v3  }
0xbd: {  	v3 =	vld [tilespmem:s24+$0x0];
	_ =	sdelay $0x4  }
0xbe: {  	s14 =	simm.s32 $0x2A0;
	[tilespmem:s15+$0x8620] =	vst v3  }
0xbf: {  	s19 =	simm.s32 $0x0;
	s20 =	simm.s32 $0x200;
	s15 =	simm.s32 $0x100;
	v3 =	vld [tilespmem:s14+$0xFFFFFFE0]  }
.LBB2_2:
0xc0: {  	p0 =	sne.s32 s20, $0x7F00  }
0xc1: {  	s19 =	sadd.s32 $0x80, s19  }
0xc2: {  	s21 =	sand.u32 $0x7800, s15;
	s15 =	smov.u32 s20;
	s22 =	sand.u32 $0x380, s19  }
0xc3: {  	s21 =	sor.u32 s22, s21  }
0xc4: {  	[tilespmem:s21+$0x8600] =	vst v3  }
0xc5: {  	v3 =	vld [tilespmem:s14+$0xFFFFFFF0];
	_ =	sdelay $0x4  }
0xc6: {  	[tilespmem:s21+$0x8610] =	vst v3  }
0xc7: {  	v3 =	vld [tilespmem:s14+$0x0];
	_ =	sdelay $0x1  }
.Ltmp0:
0xc8: {  	(pc) =	sbr.rel @p0 .LBB2_2-.Ltmp0, $3  }
0xc9: {  	_ =	sdelay $0x1  }
0xca: {  	s14 =	sadd.s32 $0x80, s14;
	[tilespmem:s21+$0x8620] =	vst v3  }
0xcb: {  	s20 =	sadd.s32 $0x100, s20;
	v3 =	vld [tilespmem:s14+$0xFFFFFFE0]  }
0xcc: {  	_ = 	snop  }
0xcd: {  	s19 =	sadd.s32 $0x80, s19  }
0xce: {  	s15 =	sand.u32 $0x7800, s15;
	s19 =	sand.u32 $0x380, s19  }
0xcf: {  	s15 =	sor.u32 s19, s15  }
0xd0: {  	[tilespmem:s15+$0x8600] =	vst v3  }
0xd1: {  	v3 =	vld [tilespmem:s14+$0xFFFFFFF0];
	_ =	sdelay $0x4  }
0xd2: {  	[tilespmem:s15+$0x8610] =	vst v3  }
0xd3: {  	v3 =	vld [tilespmem:s14+$0x0];
	_ =	sdelay $0x4  }
0xd4: {  	s0 =	rddreg [dreg:$0x8];
	s14 =	simm.s32 $0x0;
	[tilespmem:s15+$0x8620] =	vst v3  }
0xd5: {  	[hbm4b:s0+s14] =	stream.linear.scatter [tilespmem:s30], [sflag:$0x5], $0x8000, $0x38;
	[tilespmem:$0x18200] =	vst v63  }
0xd6: {  	s23 =	rddreg [dreg:$0x9]  }
0xd7: {  	[tilespmem:s14], [sflag:$0x3] =	stream.linear.gather [hbm4b:s23+s14], $0x80, $0x38;
	[tilespmem:$0x18200] =	vst v63  }
0xd8: {  	s24 =	rddreg [dreg:$0xa];
	s15 =	simm.s32 $0x0  }
0xd9: {  	[tilespmem:s25], [sflag:$0x3] =	stream.linear.gather [hbm4b:s24+s14], $0x80, $0x38;
	[tilespmem:$0x18200] =	vst v63  }
.LBB2_4:
0xda: {  	_ =	swait.ge [sflag:s29], $0x80  }
0xdb: {  	[sflag:s29] =	ssyncset.done $0x0  }
0xdc: {  	[sflag:s29] =	ssyncadd.s32 $0xFFFFFF80  }
0xdd: {  	_ =	swait.ge [sflag:s29], $0x80  }
0xde: {  	[sflag:s29] =	ssyncset.done $0x0  }
0xdf: {  	[sflag:s29] =	ssyncadd.s32 $0xFFFFFF80  }
0xe0: {  	_ =	swait.ge [sflag:s10], $0x8000  }
0xe1: {  	[sflag:s10] =	ssyncset.done $0x0  }
0xe2: {  	[sflag:s10] =	ssyncadd.s32 $0xFFFF8000  }
0xe3: {  	v3 =	vld [tilespmem:$0x0];
	_ =	sdelay $0x4  }
0xe4: {  	v4 =	vperm.xlane v3, v0;
	_ =	sdelay $0x1  }
0xe5: {  	v3 =	vperm.xlane v3, v2;
	v4 =	vadd.s32 v1, v4;
	_ =	sdelay $0x1  }
0xe6: {  	v3 =	vadd.s32 v1, v3;
	_ =	sdelay $0x2  }
0xe7: {  	[tilespmem:s30], [sflag:$0x1] =	stream.indirect_vreg.gather [hbm4b:s3+s14], $0x80, v4, vm0, $0xb8;
	[tilespmem:$0x18200] =	vst v63  }
0xe8: {  	s0 =	simm.s32 $0x8A00  }
0xe9: {  	[tilespmem:s0], [sflag:$0x1] =	stream.indirect_vreg.gather [hbm4b:s3+s14], $0x80, v3, vm0, $0xb8;
	[tilespmem:$0x18200] =	vst v63  }
0xea: {  	v3 =	vld [tilespmem:$0x10];
	_ =	sdelay $0x4  }
0xeb: {  	v4 =	vperm.xlane v3, v0;
	_ =	sdelay $0x1  }
0xec: {  	v3 =	vperm.xlane v3, v2;
	v4 =	vadd.s32 v1, v4;
	_ =	sdelay $0x1  }
0xed: {  	v3 =	vadd.s32 v1, v3;
	_ =	sdelay $0x1  }
0xee: {  	s22 =	simm.s32 $0x9200  }
0xef: {  	[tilespmem:s22], [sflag:$0x1] =	stream.indirect_vreg.gather [hbm4b:s3+s14], $0x80, v4, vm0, $0xb8;
	[tilespmem:$0x18200] =	vst v63  }
0xf0: {  	s23 =	simm.s32 $0x9A00  }
0xf1: {  	[tilespmem:s23], [sflag:$0x1] =	stream.indirect_vreg.gather [hbm4b:s3+s14], $0x80, v3, vm0, $0xb8;
	[tilespmem:$0x18200] =	vst v63  }
0xf2: {  	v3 =	vld [tilespmem:$0x20];
	_ =	sdelay $0x4  }
0xf3: {  	v4 =	vperm.xlane v3, v0;
	_ =	sdelay $0x1  }
0xf4: {  	v3 =	vperm.xlane v3, v2;
	v4 =	vadd.s32 v1, v4;
	_ =	sdelay $0x1  }
0xf5: {  	v3 =	vadd.s32 v1, v3;
	_ =	sdelay $0x1  }
0xf6: {  	s24 =	simm.s32 $0xA200  }
0xf7: {  	[tilespmem:s24], [sflag:$0x1] =	stream.indirect_vreg.gather [hbm4b:s3+s14], $0x80, v4, vm0, $0xb8;
	[tilespmem:$0x18200] =	vst v63  }
0xf8: {  	s19 =	simm.s32 $0xAA00  }
0xf9: {  	[tilespmem:s19], [sflag:$0x1] =	stream.indirect_vreg.gather [hbm4b:s3+s14], $0x80, v3, vm0, $0xb8;
	[tilespmem:$0x18200] =	vst v63  }
0xfa: {  	v3 =	vld [tilespmem:$0x30];
	_ =	sdelay $0x4  }
0xfb: {  	v4 =	vperm.xlane v3, v0;
	_ =	sdelay $0x1  }
0xfc: {  	v3 =	vperm.xlane v3, v2;
	v4 =	vadd.s32 v1, v4;
	_ =	sdelay $0x1  }
0xfd: {  	v3 =	vadd.s32 v1, v3;
	_ =	sdelay $0x1  }
0xfe: {  	s20 =	simm.s32 $0xB200  }
0xff: {  	[tilespmem:s20], [sflag:$0x1] =	stream.indirect_vreg.gather [hbm4b:s3+s14], $0x80, v4, vm0, $0xb8;
	[tilespmem:$0x18200] =	vst v63  }
0x100: {  	s21 =	simm.s32 $0xBA00  }
0x101: {  	[tilespmem:s21], [sflag:$0x1] =	stream.indirect_vreg.gather [hbm4b:s3+s14], $0x80, v3, vm0, $0xb8;
	[tilespmem:$0x18200] =	vst v63  }
0x102: {  	v3 =	vld [tilespmem:$0x40];
	_ =	sdelay $0x4  }
0x103: {  	v4 =	vperm.xlane v3, v0;
	_ =	sdelay $0x1  }
0x104: {  	v3 =	vperm.xlane v3, v2;
	v4 =	vadd.s32 v1, v4;
	_ =	sdelay $0x1  }
0x105: {  	v3 =	vadd.s32 v1, v3;
	_ =	sdelay $0x1  }
0x106: {  	s22 =	simm.s32 $0xC200  }
0x107: {  	[tilespmem:s22], [sflag:$0x1] =	stream.indirect_vreg.gather [hbm4b:s3+s14], $0x80, v4, vm0, $0xb8;
	[tilespmem:$0x18200] =	vst v63  }
0x108: {  	s23 =	simm.s32 $0xCA00  }
0x109: {  	[tilespmem:s23], [sflag:$0x1] =	stream.indirect_vreg.gather [hbm4b:s3+s14], $0x80, v3, vm0, $0xb8;
	[tilespmem:$0x18200] =	vst v63  }
0x10a: {  	v3 =	vld [tilespmem:$0x50];
	_ =	sdelay $0x4  }
0x10b: {  	v4 =	vperm.xlane v3, v0;
	_ =	sdelay $0x1  }
0x10c: {  	v3 =	vperm.xlane v3, v2;
	v4 =	vadd.s32 v1, v4;
	_ =	sdelay $0x1  }
0x10d: {  	v3 =	vadd.s32 v1, v3;
	_ =	sdelay $0x1  }
0x10e: {  	s24 =	simm.s32 $0xD200  }
0x10f: {  	[tilespmem:s24], [sflag:$0x1] =	stream.indirect_vreg.gather [hbm4b:s3+s14], $0x80, v4, vm0, $0xb8;
	[tilespmem:$0x18200] =	vst v63  }
0x110: {  	s19 =	simm.s32 $0xDA00  }
0x111: {  	[tilespmem:s19], [sflag:$0x1] =	stream.indirect_vreg.gather [hbm4b:s3+s14], $0x80, v3, vm0, $0xb8;
	[tilespmem:$0x18200] =	vst v63  }
0x112: {  	v3 =	vld [tilespmem:$0x60];
	_ =	sdelay $0x4  }
0x113: {  	v4 =	vperm.xlane v3, v0;
	_ =	sdelay $0x1  }
0x114: {  	v3 =	vperm.xlane v3, v2;
	v4 =	vadd.s32 v1, v4;
	_ =	sdelay $0x1  }
0x115: {  	v3 =	vadd.s32 v1, v3;
	_ =	sdelay $0x1  }
0x116: {  	s20 =	simm.s32 $0xE200  }
0x117: {  	[tilespmem:s20], [sflag:$0x1] =	stream.indirect_vreg.gather [hbm4b:s3+s14], $0x80, v4, vm0, $0xb8;
	[tilespmem:$0x18200] =	vst v63  }
0x118: {  	s21 =	simm.s32 $0xEA00  }
0x119: {  	[tilespmem:s21], [sflag:$0x1] =	stream.indirect_vreg.gather [hbm4b:s3+s14], $0x80, v3, vm0, $0xb8;
	[tilespmem:$0x18200] =	vst v63  }
0x11a: {  	v3 =	vld [tilespmem:$0x70];
	_ =	sdelay $0x4  }
0x11b: {  	v4 =	vperm.xlane v3, v0;
	_ =	sdelay $0x1  }
0x11c: {  	v3 =	vperm.xlane v3, v2;
	v4 =	vadd.s32 v1, v4;
	_ =	sdelay $0x1  }
0x11d: {  	v3 =	vadd.s32 v1, v3;
	_ =	sdelay $0x1  }
0x11e: {  	s22 =	simm.s32 $0xF200  }
0x11f: {  	[tilespmem:s22], [sflag:$0x1] =	stream.indirect_vreg.gather [hbm4b:s3+s14], $0x80, v4, vm0, $0xb8;
	[tilespmem:$0x18200] =	vst v63  }
0x120: {  	s23 =	simm.s32 $0xFA00  }
0x121: {  	[tilespmem:s23], [sflag:$0x1] =	stream.indirect_vreg.gather [hbm4b:s3+s14], $0x80, v3, vm0, $0xb8;
	[tilespmem:$0x18200] =	vst v63  }
0x122: {  	s24 =	simm.s32 $0x200  }
0x123: {  	[tilespmem:s24], [sflag:$0x1] =	stream.indirect.gather [hbm4b:s6+s26], $0x80, s25, s26, $0xb8;
	[tilespmem:$0x18200] =	vst v63  }
0x124: {  	_ =	swait.ge [sflag:s11], $0x4000  }
0x125: {  	[sflag:s11] =	ssyncset.done $0x0  }
0x126: {  	[sflag:s11] =	ssyncadd.s32 $0xFFFFC000  }
0x127: {  	_ =	swait.ge [sflag:s11], $0x4000  }
0x128: {  	[sflag:s11] =	ssyncset.done $0x0  }
0x129: {  	s19 =	simm.s32 $0x4220;
	[sflag:s11] =	ssyncadd.s32 $0xFFFFC000  }
0x12a: {  	v3 =	vld [tilespmem:s19+$0xFFFFFFE0];
	_ =	sdelay $0x1  }
0x12b: {  	s20 =	sand.u32 $0x7800, s14;
	s21 =	sand.u32 $0x380, s14  }
0x12c: {  	s20 =	sor.u32 s21, s20  }
0x12d: {  	s20 =	sadd.s32 $0x10200, s20  }
0x12e: {  	[tilespmem:s20+$0x400] =	vst v3  }
0x12f: {  	v3 =	vld [tilespmem:s19+$0xFFFFFFF0];
	_ =	sdelay $0x4  }
0x130: {  	[tilespmem:s20+$0x410] =	vst v3  }
0x131: {  	v3 =	vld [tilespmem:s19+$0x0];
	_ =	sdelay $0x4  }
0x132: {  	s19 =	simm.s32 $0x42A0;
	[tilespmem:s20+$0x420] =	vst v3  }
0x133: {  	s21 =	simm.s32 $0x0;
	s22 =	simm.s32 $0x200;
	s20 =	simm.s32 $0x100;
	v3 =	vld [tilespmem:s19+$0xFFFFFFE0]  }
.LBB2_5:
0x134: {  	p0 =	sne.s32 s22, $0x7F00;
	s21 =	sadd.s32 $0x80, s21  }
0x135: {  	s23 =	sand.u32 $0x7800, s20;
	s20 =	smov.u32 s22;
	s24 =	sand.u32 $0x380, s21  }
0x136: {  	s23 =	sor.u32 s24, s23  }
0x137: {  	s23 =	sadd.s32 $0x10200, s23  }
0x138: {  	[tilespmem:s23+$0x400] =	vst v3  }
0x139: {  	v3 =	vld [tilespmem:s19+$0xFFFFFFF0];
	_ =	sdelay $0x4  }
0x13a: {  	[tilespmem:s23+$0x410] =	vst v3  }
0x13b: {  	v3 =	vld [tilespmem:s19+$0x0];
	_ =	sdelay $0x1  }
.Ltmp1:
0x13c: {  	(pc) =	sbr.rel @p0 .LBB2_5-.Ltmp1, $3  }
0x13d: {  	_ =	sdelay $0x1  }
0x13e: {  	s19 =	sadd.s32 $0x80, s19;
	[tilespmem:s23+$0x420] =	vst v3  }
0x13f: {  	s22 =	sadd.s32 $0x100, s22;
	v3 =	vld [tilespmem:s19+$0xFFFFFFE0]  }
0x140: {  	s21 =	sadd.s32 $0x80, s21  }
0x141: {  	s20 =	sand.u32 $0x7800, s20;
	s21 =	sand.u32 $0x380, s21  }
0x142: {  	s20 =	sor.u32 s21, s20  }
0x143: {  	s20 =	sadd.s32 $0x10200, s20  }
0x144: {  	[tilespmem:s20+$0x400] =	vst v3  }
0x145: {  	v3 =	vld [tilespmem:s19+$0xFFFFFFF0];
	_ =	sdelay $0x4  }
0x146: {  	[tilespmem:s20+$0x410] =	vst v3  }
0x147: {  	v3 =	vld [tilespmem:s19+$0x0];
	_ =	sdelay $0x1  }
0x148: {  	s19 =	sshll.u32 s15, $0x8  }
0x149: {  	s0 =	sadd.s32 s19, s16  }
0x14a: {  	s21 =	sshll.u32 s0, $0x5  }
0x14b: {  	s22 =	sadd.s32 s19, s17;
	s21 =	sadd.s32 s7, s21;
	[tilespmem:s20+$0x420] =	vst v3;
	s20 =	simm.s32 $0x0  }
0x14c: {  	[hbm4b:s21+s20] =	stream.linear.scatter [tilespmem:s2], [sflag:$0x6], $0x8000, $0x38;
	[tilespmem:$0x18200] =	vst v63  }
0x14d: {  	s21 =	sshrl.u32 s22, $0x3  }
0x14e: {  	s22 =	sadd.s32 s1, s21  }
0x14f: {  	[tilespmem:s26], [sflag:$0x4] =	stream.linear.gather [hbm4b:s22+s20], $0x80, $0x38;
	[tilespmem:$0x18200] =	vst v63  }
0x150: {  	s21 =	sadd.s32 s5, s21  }
0x151: {  	[tilespmem:s28], [sflag:$0x4] =	stream.linear.gather [hbm4b:s21+s20], $0x80, $0x38;
	[tilespmem:$0x18200] =	vst v63  }
0x152: {  	_ =	swait.ge [sflag:s31], $0x80  }
0x153: {  	[sflag:s31] =	ssyncset.done $0x0  }
0x154: {  	[sflag:s31] =	ssyncadd.s32 $0xFFFFFF80  }
0x155: {  	_ =	swait.ge [sflag:s31], $0x80  }
0x156: {  	[sflag:s31] =	ssyncset.done $0x0  }
0x157: {  	[sflag:s31] =	ssyncadd.s32 $0xFFFFFF80  }
0x158: {  	_ =	swait.ge [sflag:s13], $0x8000  }
0x159: {  	[sflag:s13] =	ssyncset.done $0x0  }
0x15a: {  	[sflag:s13] =	ssyncadd.s32 $0xFFFF8000  }
0x15b: {  	v3 =	vld [tilespmem:$0x80];
	_ =	sdelay $0x4  }
0x15c: {  	v4 =	vperm.xlane v3, v0;
	_ =	sdelay $0x1  }
0x15d: {  	v3 =	vperm.xlane v3, v2;
	v4 =	vadd.s32 v1, v4;
	_ =	sdelay $0x1  }
0x15e: {  	v3 =	vadd.s32 v1, v3;
	_ =	sdelay $0x2  }
0x15f: {  	[tilespmem:s2], [sflag:$0x2] =	stream.indirect_vreg.gather [hbm4b:s3+s20], $0x80, v4, vm0, $0xb8;
	[tilespmem:$0x18200] =	vst v63  }
0x160: {  	s0 =	simm.s32 $0x10A00  }
0x161: {  	[tilespmem:s0], [sflag:$0x2] =	stream.indirect_vreg.gather [hbm4b:s3+s20], $0x80, v3, vm0, $0xb8;
	[tilespmem:$0x18200] =	vst v63  }
0x162: {  	v3 =	vld [tilespmem:$0x90];
	_ =	sdelay $0x4  }
0x163: {  	v4 =	vperm.xlane v3, v0;
	_ =	sdelay $0x1  }
0x164: {  	v3 =	vperm.xlane v3, v2;
	v4 =	vadd.s32 v1, v4;
	_ =	sdelay $0x1  }
0x165: {  	v3 =	vadd.s32 v1, v3;
	_ =	sdelay $0x1  }
0x166: {  	s23 =	simm.s32 $0x11200  }
0x167: {  	[tilespmem:s23], [sflag:$0x2] =	stream.indirect_vreg.gather [hbm4b:s3+s20], $0x80, v4, vm0, $0xb8;
	[tilespmem:$0x18200] =	vst v63  }
0x168: {  	s24 =	simm.s32 $0x11A00  }
0x169: {  	[tilespmem:s24], [sflag:$0x2] =	stream.indirect_vreg.gather [hbm4b:s3+s20], $0x80, v3, vm0, $0xb8;
	[tilespmem:$0x18200] =	vst v63  }
0x16a: {  	v3 =	vld [tilespmem:$0xA0];
	_ =	sdelay $0x4  }
0x16b: {  	v4 =	vperm.xlane v3, v0;
	_ =	sdelay $0x1  }
0x16c: {  	v3 =	vperm.xlane v3, v2;
	v4 =	vadd.s32 v1, v4;
	_ =	sdelay $0x1  }
0x16d: {  	v3 =	vadd.s32 v1, v3;
	_ =	sdelay $0x1  }
0x16e: {  	s21 =	simm.s32 $0x12200  }
0x16f: {  	[tilespmem:s21], [sflag:$0x2] =	stream.indirect_vreg.gather [hbm4b:s3+s20], $0x80, v4, vm0, $0xb8;
	[tilespmem:$0x18200] =	vst v63  }
0x170: {  	s22 =	simm.s32 $0x12A00  }
0x171: {  	[tilespmem:s22], [sflag:$0x2] =	stream.indirect_vreg.gather [hbm4b:s3+s20], $0x80, v3, vm0, $0xb8;
	[tilespmem:$0x18200] =	vst v63  }
0x172: {  	v3 =	vld [tilespmem:$0xB0];
	_ =	sdelay $0x4  }
0x173: {  	v4 =	vperm.xlane v3, v0;
	_ =	sdelay $0x1  }
0x174: {  	v3 =	vperm.xlane v3, v2;
	v4 =	vadd.s32 v1, v4;
	_ =	sdelay $0x1  }
0x175: {  	v3 =	vadd.s32 v1, v3;
	_ =	sdelay $0x1  }
0x176: {  	s23 =	simm.s32 $0x13200  }
0x177: {  	[tilespmem:s23], [sflag:$0x2] =	stream.indirect_vreg.gather [hbm4b:s3+s20], $0x80, v4, vm0, $0xb8;
	[tilespmem:$0x18200] =	vst v63  }
0x178: {  	s24 =	simm.s32 $0x13A00  }
0x179: {  	[tilespmem:s24], [sflag:$0x2] =	stream.indirect_vreg.gather [hbm4b:s3+s20], $0x80, v3, vm0, $0xb8;
	[tilespmem:$0x18200] =	vst v63  }
0x17a: {  	v3 =	vld [tilespmem:$0xC0];
	_ =	sdelay $0x4  }
0x17b: {  	v4 =	vperm.xlane v3, v0;
	_ =	sdelay $0x1  }
0x17c: {  	v3 =	vperm.xlane v3, v2;
	v4 =	vadd.s32 v1, v4;
	_ =	sdelay $0x1  }
0x17d: {  	v3 =	vadd.s32 v1, v3;
	_ =	sdelay $0x1  }
0x17e: {  	s21 =	simm.s32 $0x14200  }
0x17f: {  	[tilespmem:s21], [sflag:$0x2] =	stream.indirect_vreg.gather [hbm4b:s3+s20], $0x80, v4, vm0, $0xb8;
	[tilespmem:$0x18200] =	vst v63  }
0x180: {  	s22 =	simm.s32 $0x14A00  }
0x181: {  	[tilespmem:s22], [sflag:$0x2] =	stream.indirect_vreg.gather [hbm4b:s3+s20], $0x80, v3, vm0, $0xb8;
	[tilespmem:$0x18200] =	vst v63  }
0x182: {  	v3 =	vld [tilespmem:$0xD0];
	_ =	sdelay $0x4  }
0x183: {  	v4 =	vperm.xlane v3, v0;
	_ =	sdelay $0x1  }
0x184: {  	v3 =	vperm.xlane v3, v2;
	v4 =	vadd.s32 v1, v4;
	_ =	sdelay $0x1  }
0x185: {  	v3 =	vadd.s32 v1, v3;
	_ =	sdelay $0x1  }
0x186: {  	s23 =	simm.s32 $0x15200  }
0x187: {  	[tilespmem:s23], [sflag:$0x2] =	stream.indirect_vreg.gather [hbm4b:s3+s20], $0x80, v4, vm0, $0xb8;
	[tilespmem:$0x18200] =	vst v63  }
0x188: {  	s24 =	simm.s32 $0x15A00  }
0x189: {  	[tilespmem:s24], [sflag:$0x2] =	stream.indirect_vreg.gather [hbm4b:s3+s20], $0x80, v3, vm0, $0xb8;
	[tilespmem:$0x18200] =	vst v63  }
0x18a: {  	v3 =	vld [tilespmem:$0xE0];
	_ =	sdelay $0x4  }
0x18b: {  	v4 =	vperm.xlane v3, v0;
	_ =	sdelay $0x1  }
0x18c: {  	v3 =	vperm.xlane v3, v2;
	v4 =	vadd.s32 v1, v4;
	_ =	sdelay $0x1  }
0x18d: {  	v3 =	vadd.s32 v1, v3;
	_ =	sdelay $0x1  }
0x18e: {  	s21 =	simm.s32 $0x16200  }
0x18f: {  	[tilespmem:s21], [sflag:$0x2] =	stream.indirect_vreg.gather [hbm4b:s3+s20], $0x80, v4, vm0, $0xb8;
	[tilespmem:$0x18200] =	vst v63  }
0x190: {  	s22 =	simm.s32 $0x16A00  }
0x191: {  	[tilespmem:s22], [sflag:$0x2] =	stream.indirect_vreg.gather [hbm4b:s3+s20], $0x80, v3, vm0, $0xb8;
	[tilespmem:$0x18200] =	vst v63  }
0x192: {  	v3 =	vld [tilespmem:$0xF0];
	_ =	sdelay $0x4  }
0x193: {  	v4 =	vperm.xlane v3, v0;
	_ =	sdelay $0x1  }
0x194: {  	v3 =	vperm.xlane v3, v2;
	v4 =	vadd.s32 v1, v4;
	_ =	sdelay $0x1  }
0x195: {  	v3 =	vadd.s32 v1, v3;
	_ =	sdelay $0x1  }
0x196: {  	s23 =	simm.s32 $0x17200  }
0x197: {  	[tilespmem:s23], [sflag:$0x2] =	stream.indirect_vreg.gather [hbm4b:s3+s20], $0x80, v4, vm0, $0xb8;
	[tilespmem:$0x18200] =	vst v63  }
0x198: {  	s24 =	simm.s32 $0x17A00  }
0x199: {  	[tilespmem:s24], [sflag:$0x2] =	stream.indirect_vreg.gather [hbm4b:s3+s20], $0x80, v3, vm0, $0xb8;
	[tilespmem:$0x18200] =	vst v63  }
0x19a: {  	_ = 	snop  }
0x19b: {  	[tilespmem:s8], [sflag:$0x2] =	stream.indirect.gather [hbm4b:s6+s26], $0x80, s28, s26, $0xb8;
	[tilespmem:$0x18200] =	vst v63  }
0x19c: {  	_ =	swait.ge [sflag:s9], $0x4000  }
0x19d: {  	[sflag:s9] =	ssyncset.done $0x0  }
0x19e: {  	[sflag:s9] =	ssyncadd.s32 $0xFFFFC000  }
0x19f: {  	_ =	swait.ge [sflag:s9], $0x4000  }
0x1a0: {  	[sflag:s9] =	ssyncset.done $0x0  }
0x1a1: {  	s0 =	simm.s32 $0x220;
	[sflag:s9] =	ssyncadd.s32 $0xFFFFC000  }
0x1a2: {  	v3 =	vld [tilespmem:s0+$0xFFFFFFE0];
	_ =	sdelay $0x2  }
0x1a3: {  	s23 =	sand.u32 $0x380, s20;
	s24 =	sand.u32 $0x7800, s20  }
0x1a4: {  	s22 =	sor.u32 s23, s24  }
0x1a5: {  	[tilespmem:s22+$0x8600] =	vst v3  }
0x1a6: {  	v3 =	vld [tilespmem:s0+$0xFFFFFFF0];
	_ =	sdelay $0x4  }
0x1a7: {  	[tilespmem:s22+$0x8610] =	vst v3  }
0x1a8: {  	v3 =	vld [tilespmem:s0+$0x0];
	_ =	sdelay $0x4  }
0x1a9: {  	s21 =	simm.s32 $0x2A0;
	[tilespmem:s22+$0x8620] =	vst v3  }
0x1aa: {  	s23 =	simm.s32 $0x200;
	s22 =	simm.s32 $0x100;
	v3 =	vld [tilespmem:s21+$0xFFFFFFE0]  }
.LBB2_7:
0x1ab: {  	p0 =	sne.s32 s23, $0x7F00  }
0x1ac: {  	s20 =	sadd.s32 $0x80, s20  }
0x1ad: {  	s24 =	sand.u32 $0x7800, s22;
	s22 =	smov.u32 s23;
	s0 =	sand.u32 $0x380, s20  }
0x1ae: {  	s0 =	sor.u32 s0, s24  }
0x1af: {  	[tilespmem:s0+$0x8600] =	vst v3  }
0x1b0: {  	v3 =	vld [tilespmem:s21+$0xFFFFFFF0];
	_ =	sdelay $0x4  }
0x1b1: {  	[tilespmem:s0+$0x8610] =	vst v3  }
0x1b2: {  	v3 =	vld [tilespmem:s21+$0x0];
	_ =	sdelay $0x1  }
.Ltmp2:
0x1b3: {  	(pc) =	sbr.rel @p0 .LBB2_7-.Ltmp2, $3  }
0x1b4: {  	_ =	sdelay $0x1  }
0x1b5: {  	s21 =	sadd.s32 $0x80, s21;
	[tilespmem:s0+$0x8620] =	vst v3  }
0x1b6: {  	s23 =	sadd.s32 $0x100, s23;
	v3 =	vld [tilespmem:s21+$0xFFFFFFE0]  }
0x1b7: {  	_ = 	snop  }
0x1b8: {  	s0 =	sadd.s32 $0x80, s20  }
0x1b9: {  	s24 =	sand.u32 $0x7800, s22;
	s0 =	sand.u32 $0x380, s0  }
0x1ba: {  	s0 =	sor.u32 s0, s24  }
0x1bb: {  	[tilespmem:s0+$0x8600] =	vst v3  }
0x1bc: {  	v3 =	vld [tilespmem:s21+$0xFFFFFFF0];
	_ =	sdelay $0x4  }
0x1bd: {  	[tilespmem:s0+$0x8610] =	vst v3  }
0x1be: {  	v3 =	vld [tilespmem:s21+$0x0];
	_ =	sdelay $0x2  }
0x1bf: {  	s21 =	sadd.s32 s19, s12  }
0x1c0: {  	s15 =	sadd.s32 $0x1, s15;
	s20 =	sshll.u32 s21, $0x5  }
0x1c1: {  	s23 =	sadd.s32 s19, s18;
	p0 =	sne.s32 s15, $0x17;
	s22 =	sadd.s32 s7, s20;
	[tilespmem:s0+$0x8620] =	vst v3  }
0x1c2: {  	[hbm4b:s22+s4] =	stream.linear.scatter [tilespmem:s30], [sflag:$0x5], $0x8000, $0x38;
	[tilespmem:$0x18200] =	vst v63  }
.Ltmp3:
0x1c3: {  	s0 =	sshrl.u32 s23, $0x3;
	(pc) =	sbr.rel @p0 .LBB2_4-.Ltmp3, $4  }
0x1c4: {  	s24 =	sadd.s32 s1, s0  }
0x1c5: {  	[tilespmem:s4], [sflag:$0x3] =	stream.linear.gather [hbm4b:s24+s4], $0x80, $0x38;
	[tilespmem:$0x18200] =	vst v63  }
0x1c6: {  	s0 =	sadd.s32 s5, s0  }
0x1c7: {  	[tilespmem:s25], [sflag:$0x3] =	stream.linear.gather [hbm4b:s0+s4], $0x80, $0x38;
	[tilespmem:$0x18200] =	vst v63  }
0x1c8: {  	_ =	swait.ge [sflag:s29], $0x80  }
0x1c9: {  	[sflag:s29] =	ssyncset.done $0x0  }
0x1ca: {  	[sflag:s29] =	ssyncadd.s32 $0xFFFFFF80  }
0x1cb: {  	_ =	swait.ge [sflag:s29], $0x80  }
0x1cc: {  	[sflag:s29] =	ssyncset.done $0x0  }
0x1cd: {  	[sflag:s29] =	ssyncadd.s32 $0xFFFFFF80  }
0x1ce: {  	_ =	swait.ge [sflag:s10], $0x8000  }
0x1cf: {  	[sflag:s10] =	ssyncset.done $0x0  }
0x1d0: {  	[sflag:s10] =	ssyncadd.s32 $0xFFFF8000  }
0x1d1: {  	v3 =	vld [tilespmem:$0x0];
	_ =	sdelay $0x4  }
0x1d2: {  	v4 =	vperm.xlane v3, v0;
	_ =	sdelay $0x1  }
0x1d3: {  	v3 =	vperm.xlane v3, v2;
	v4 =	vadd.s32 v1, v4;
	_ =	sdelay $0x1  }
0x1d4: {  	v3 =	vadd.s32 v1, v3;
	_ =	sdelay $0x1  }
0x1d5: {  	s14 =	simm.s32 $0x0  }
0x1d6: {  	[tilespmem:s30], [sflag:$0x1] =	stream.indirect_vreg.gather [hbm4b:s3+s14], $0x80, v4, vm0, $0xb8;
	[tilespmem:$0x18200] =	vst v63  }
0x1d7: {  	s0 =	simm.s32 $0x8A00  }
0x1d8: {  	[tilespmem:s0], [sflag:$0x1] =	stream.indirect_vreg.gather [hbm4b:s3+s14], $0x80, v3, vm0, $0xb8;
	[tilespmem:$0x18200] =	vst v63  }
0x1d9: {  	v3 =	vld [tilespmem:$0x10];
	_ =	sdelay $0x4  }
0x1da: {  	v4 =	vperm.xlane v3, v0;
	_ =	sdelay $0x1  }
0x1db: {  	v3 =	vperm.xlane v3, v2;
	v4 =	vadd.s32 v1, v4;
	_ =	sdelay $0x1  }
0x1dc: {  	v3 =	vadd.s32 v1, v3;
	_ =	sdelay $0x1  }
0x1dd: {  	s23 =	simm.s32 $0x9200  }
0x1de: {  	[tilespmem:s23], [sflag:$0x1] =	stream.indirect_vreg.gather [hbm4b:s3+s14], $0x80, v4, vm0, $0xb8;
	[tilespmem:$0x18200] =	vst v63  }
0x1df: {  	s24 =	simm.s32 $0x9A00  }
0x1e0: {  	[tilespmem:s24], [sflag:$0x1] =	stream.indirect_vreg.gather [hbm4b:s3+s14], $0x80, v3, vm0, $0xb8;
	[tilespmem:$0x18200] =	vst v63  }
0x1e1: {  	v3 =	vld [tilespmem:$0x20];
	_ =	sdelay $0x4  }
0x1e2: {  	v4 =	vperm.xlane v3, v0;
	_ =	sdelay $0x1  }
0x1e3: {  	v3 =	vperm.xlane v3, v2;
	v4 =	vadd.s32 v1, v4;
	_ =	sdelay $0x1  }
0x1e4: {  	v3 =	vadd.s32 v1, v3;
	_ =	sdelay $0x1  }
0x1e5: {  	s15 =	simm.s32 $0xA200  }
0x1e6: {  	[tilespmem:s15], [sflag:$0x1] =	stream.indirect_vreg.gather [hbm4b:s3+s14], $0x80, v4, vm0, $0xb8;
	[tilespmem:$0x18200] =	vst v63  }
0x1e7: {  	s19 =	simm.s32 $0xAA00  }
0x1e8: {  	[tilespmem:s19], [sflag:$0x1] =	stream.indirect_vreg.gather [hbm4b:s3+s14], $0x80, v3, vm0, $0xb8;
	[tilespmem:$0x18200] =	vst v63  }
0x1e9: {  	v3 =	vld [tilespmem:$0x30];
	_ =	sdelay $0x4  }
0x1ea: {  	v4 =	vperm.xlane v3, v0;
	_ =	sdelay $0x1  }
0x1eb: {  	v3 =	vperm.xlane v3, v2;
	v4 =	vadd.s32 v1, v4;
	_ =	sdelay $0x1  }
0x1ec: {  	v3 =	vadd.s32 v1, v3;
	_ =	sdelay $0x1  }
0x1ed: {  	s20 =	simm.s32 $0xB200  }
0x1ee: {  	[tilespmem:s20], [sflag:$0x1] =	stream.indirect_vreg.gather [hbm4b:s3+s14], $0x80, v4, vm0, $0xb8;
	[tilespmem:$0x18200] =	vst v63  }
0x1ef: {  	s21 =	simm.s32 $0xBA00  }
0x1f0: {  	[tilespmem:s21], [sflag:$0x1] =	stream.indirect_vreg.gather [hbm4b:s3+s14], $0x80, v3, vm0, $0xb8;
	[tilespmem:$0x18200] =	vst v63  }
0x1f1: {  	v3 =	vld [tilespmem:$0x40];
	_ =	sdelay $0x4  }
0x1f2: {  	v4 =	vperm.xlane v3, v0;
	_ =	sdelay $0x1  }
0x1f3: {  	v3 =	vperm.xlane v3, v2;
	v4 =	vadd.s32 v1, v4;
	_ =	sdelay $0x1  }
0x1f4: {  	v3 =	vadd.s32 v1, v3;
	_ =	sdelay $0x1  }
0x1f5: {  	s22 =	simm.s32 $0xC200  }
0x1f6: {  	[tilespmem:s22], [sflag:$0x1] =	stream.indirect_vreg.gather [hbm4b:s3+s14], $0x80, v4, vm0, $0xb8;
	[tilespmem:$0x18200] =	vst v63  }
0x1f7: {  	s23 =	simm.s32 $0xCA00  }
0x1f8: {  	[tilespmem:s23], [sflag:$0x1] =	stream.indirect_vreg.gather [hbm4b:s3+s14], $0x80, v3, vm0, $0xb8;
	[tilespmem:$0x18200] =	vst v63  }
0x1f9: {  	v3 =	vld [tilespmem:$0x50];
	_ =	sdelay $0x4  }
0x1fa: {  	v4 =	vperm.xlane v3, v0;
	_ =	sdelay $0x1  }
0x1fb: {  	v3 =	vperm.xlane v3, v2;
	v4 =	vadd.s32 v1, v4;
	_ =	sdelay $0x1  }
0x1fc: {  	v3 =	vadd.s32 v1, v3;
	_ =	sdelay $0x1  }
0x1fd: {  	s24 =	simm.s32 $0xD200  }
0x1fe: {  	[tilespmem:s24], [sflag:$0x1] =	stream.indirect_vreg.gather [hbm4b:s3+s14], $0x80, v4, vm0, $0xb8;
	[tilespmem:$0x18200] =	vst v63  }
0x1ff: {  	s15 =	simm.s32 $0xDA00  }
0x200: {  	[tilespmem:s15], [sflag:$0x1] =	stream.indirect_vreg.gather [hbm4b:s3+s14], $0x80, v3, vm0, $0xb8;
	[tilespmem:$0x18200] =	vst v63  }
0x201: {  	v3 =	vld [tilespmem:$0x60];
	_ =	sdelay $0x4  }
0x202: {  	v4 =	vperm.xlane v3, v0;
	_ =	sdelay $0x1  }
0x203: {  	v3 =	vperm.xlane v3, v2;
	v4 =	vadd.s32 v1, v4;
	_ =	sdelay $0x1  }
0x204: {  	v3 =	vadd.s32 v1, v3;
	_ =	sdelay $0x1  }
0x205: {  	s19 =	simm.s32 $0xE200  }
0x206: {  	[tilespmem:s19], [sflag:$0x1] =	stream.indirect_vreg.gather [hbm4b:s3+s14], $0x80, v4, vm0, $0xb8;
	[tilespmem:$0x18200] =	vst v63  }
0x207: {  	s20 =	simm.s32 $0xEA00  }
0x208: {  	[tilespmem:s20], [sflag:$0x1] =	stream.indirect_vreg.gather [hbm4b:s3+s14], $0x80, v3, vm0, $0xb8;
	[tilespmem:$0x18200] =	vst v63  }
0x209: {  	v3 =	vld [tilespmem:$0x70];
	_ =	sdelay $0x4  }
0x20a: {  	v4 =	vperm.xlane v3, v0;
	_ =	sdelay $0x1  }
0x20b: {  	v3 =	vperm.xlane v3, v2;
	v4 =	vadd.s32 v1, v4;
	_ =	sdelay $0x1  }
0x20c: {  	v3 =	vadd.s32 v1, v3;
	_ =	sdelay $0x1  }
0x20d: {  	s21 =	simm.s32 $0xF200  }
0x20e: {  	[tilespmem:s21], [sflag:$0x1] =	stream.indirect_vreg.gather [hbm4b:s3+s14], $0x80, v4, vm0, $0xb8;
	[tilespmem:$0x18200] =	vst v63  }
0x20f: {  	s22 =	simm.s32 $0xFA00  }
0x210: {  	[tilespmem:s22], [sflag:$0x1] =	stream.indirect_vreg.gather [hbm4b:s3+s14], $0x80, v3, vm0, $0xb8;
	[tilespmem:$0x18200] =	vst v63  }
0x211: {  	s23 =	simm.s32 $0x200  }
0x212: {  	[tilespmem:s23], [sflag:$0x1] =	stream.indirect.gather [hbm4b:s6+s26], $0x80, s25, s26, $0xb8;
	[tilespmem:$0x18200] =	vst v63  }
0x213: {  	_ =	swait.ge [sflag:s11], $0x4000  }
0x214: {  	[sflag:s11] =	ssyncset.done $0x0  }
0x215: {  	[sflag:s11] =	ssyncadd.s32 $0xFFFFC000  }
0x216: {  	_ =	swait.ge [sflag:s11], $0x4000  }
0x217: {  	[sflag:s11] =	ssyncset.done $0x0  }
0x218: {  	s24 =	simm.s32 $0x4220;
	[sflag:s11] =	ssyncadd.s32 $0xFFFFC000  }
0x219: {  	v3 =	vld [tilespmem:s24+$0xFFFFFFE0];
	_ =	sdelay $0x1  }
0x21a: {  	s15 =	sand.u32 $0x7800, s14;
	s19 =	sand.u32 $0x380, s14  }
0x21b: {  	s15 =	sor.u32 s19, s15  }
0x21c: {  	s15 =	sadd.s32 $0x10200, s15  }
0x21d: {  	[tilespmem:s15+$0x400] =	vst v3  }
0x21e: {  	v3 =	vld [tilespmem:s24+$0xFFFFFFF0];
	_ =	sdelay $0x4  }
0x21f: {  	[tilespmem:s15+$0x410] =	vst v3  }
0x220: {  	v3 =	vld [tilespmem:s24+$0x0];
	_ =	sdelay $0x4  }
0x221: {  	[tilespmem:s15+$0x420] =	vst v3;
	s15 =	simm.s32 $0x42A0  }
0x222: {  	s19 =	simm.s32 $0x100;
	s20 =	simm.s32 $0x200;
	v3 =	vld [tilespmem:s15+$0xFFFFFFE0]  }
.LBB2_10:
0x223: {  	p0 =	sne.s32 s20, $0x7F00;
	s14 =	sadd.s32 $0x80, s14  }
0x224: {  	s0 =	sand.u32 $0x7800, s19;
	s19 =	smov.u32 s20;
	s21 =	sand.u32 $0x380, s14  }
0x225: {  	s0 =	sor.u32 s21, s0  }
0x226: {  	s0 =	sadd.s32 $0x10200, s0  }
0x227: {  	[tilespmem:s0+$0x400] =	vst v3  }
0x228: {  	v3 =	vld [tilespmem:s15+$0xFFFFFFF0];
	_ =	sdelay $0x4  }
0x229: {  	[tilespmem:s0+$0x410] =	vst v3  }
0x22a: {  	v3 =	vld [tilespmem:s15+$0x0];
	_ =	sdelay $0x1  }
.Ltmp4:
0x22b: {  	(pc) =	sbr.rel @p0 .LBB2_10-.Ltmp4, $3  }
0x22c: {  	_ =	sdelay $0x1  }
0x22d: {  	s15 =	sadd.s32 $0x80, s15;
	[tilespmem:s0+$0x420] =	vst v3  }
0x22e: {  	s20 =	sadd.s32 $0x100, s20;
	v3 =	vld [tilespmem:s15+$0xFFFFFFE0]  }
0x22f: {  	s0 =	sadd.s32 $0x80, s14  }
0x230: {  	s24 =	sand.u32 $0x7800, s19;
	s0 =	sand.u32 $0x380, s0  }
0x231: {  	s0 =	sor.u32 s0, s24  }
0x232: {  	s0 =	sadd.s32 $0x10200, s0  }
0x233: {  	[tilespmem:s0+$0x400] =	vst v3  }
0x234: {  	v3 =	vld [tilespmem:s15+$0xFFFFFFF0];
	_ =	sdelay $0x4  }
0x235: {  	[tilespmem:s0+$0x410] =	vst v3  }
0x236: {  	v3 =	vld [tilespmem:s15+$0x0];
	_ =	sdelay $0x4  }
0x237: {  	s14 =	simm.s32 $0x0;
	s15 =	rddreg [dreg:$0xb];
	[tilespmem:s0+$0x420] =	vst v3  }
0x238: {  	[hbm4b:s15+s14] =	stream.linear.scatter [tilespmem:s2], [sflag:$0x6], $0x8000, $0x38;
	[tilespmem:$0x18200] =	vst v63  }
0x239: {  	s19 =	rddreg [dreg:$0xc]  }
0x23a: {  	[tilespmem:s26], [sflag:$0x4] =	stream.linear.gather [hbm4b:s19+s14], $0x80, $0x38;
	[tilespmem:$0x18200] =	vst v63  }
0x23b: {  	s20 =	rddreg [dreg:$0xd]  }
0x23c: {  	[tilespmem:s28], [sflag:$0x4] =	stream.linear.gather [hbm4b:s20+s14], $0x80, $0x38;
	[tilespmem:$0x18200] =	vst v63  }
0x23d: {  	_ =	swait.ge [sflag:s31], $0x80  }
0x23e: {  	[sflag:s31] =	ssyncset.done $0x0  }
0x23f: {  	[sflag:s31] =	ssyncadd.s32 $0xFFFFFF80  }
0x240: {  	_ =	swait.ge [sflag:s31], $0x80  }
0x241: {  	[sflag:s31] =	ssyncset.done $0x0  }
0x242: {  	[sflag:s31] =	ssyncadd.s32 $0xFFFFFF80  }
0x243: {  	_ =	swait.ge [sflag:s13], $0x8000  }
0x244: {  	[sflag:s13] =	ssyncset.done $0x0  }
0x245: {  	[sflag:s13] =	ssyncadd.s32 $0xFFFF8000  }
0x246: {  	v3 =	vld [tilespmem:$0x80];
	_ =	sdelay $0x4  }
0x247: {  	v4 =	vperm.xlane v3, v0;
	_ =	sdelay $0x1  }
0x248: {  	v3 =	vperm.xlane v3, v2;
	v4 =	vadd.s32 v1, v4;
	_ =	sdelay $0x1  }
0x249: {  	v3 =	vadd.s32 v1, v3;
	_ =	sdelay $0x2  }
0x24a: {  	[tilespmem:s2], [sflag:$0x2] =	stream.indirect_vreg.gather [hbm4b:s3+s14], $0x80, v4, vm0, $0xb8;
	[tilespmem:$0x18200] =	vst v63  }
0x24b: {  	s21 =	simm.s32 $0x10A00  }
0x24c: {  	[tilespmem:s21], [sflag:$0x2] =	stream.indirect_vreg.gather [hbm4b:s3+s14], $0x80, v3, vm0, $0xb8;
	[tilespmem:$0x18200] =	vst v63  }
0x24d: {  	v3 =	vld [tilespmem:$0x90];
	_ =	sdelay $0x4  }
0x24e: {  	v4 =	vperm.xlane v3, v0;
	_ =	sdelay $0x1  }
0x24f: {  	v3 =	vperm.xlane v3, v2;
	v4 =	vadd.s32 v1, v4;
	_ =	sdelay $0x1  }
0x250: {  	v3 =	vadd.s32 v1, v3;
	_ =	sdelay $0x1  }
0x251: {  	s22 =	simm.s32 $0x11200  }
0x252: {  	[tilespmem:s22], [sflag:$0x2] =	stream.indirect_vreg.gather [hbm4b:s3+s14], $0x80, v4, vm0, $0xb8;
	[tilespmem:$0x18200] =	vst v63  }
0x253: {  	s23 =	simm.s32 $0x11A00  }
0x254: {  	[tilespmem:s23], [sflag:$0x2] =	stream.indirect_vreg.gather [hbm4b:s3+s14], $0x80, v3, vm0, $0xb8;
	[tilespmem:$0x18200] =	vst v63  }
0x255: {  	v3 =	vld [tilespmem:$0xA0];
	_ =	sdelay $0x4  }
0x256: {  	v4 =	vperm.xlane v3, v0;
	_ =	sdelay $0x1  }
0x257: {  	v3 =	vperm.xlane v3, v2;
	v4 =	vadd.s32 v1, v4;
	_ =	sdelay $0x1  }
0x258: {  	v3 =	vadd.s32 v1, v3;
	_ =	sdelay $0x1  }
0x259: {  	s24 =	simm.s32 $0x12200  }
0x25a: {  	[tilespmem:s24], [sflag:$0x2] =	stream.indirect_vreg.gather [hbm4b:s3+s14], $0x80, v4, vm0, $0xb8;
	[tilespmem:$0x18200] =	vst v63  }
0x25b: {  	s15 =	simm.s32 $0x12A00  }
0x25c: {  	[tilespmem:s15], [sflag:$0x2] =	stream.indirect_vreg.gather [hbm4b:s3+s14], $0x80, v3, vm0, $0xb8;
	[tilespmem:$0x18200] =	vst v63  }
0x25d: {  	v3 =	vld [tilespmem:$0xB0];
	_ =	sdelay $0x4  }
0x25e: {  	v4 =	vperm.xlane v3, v0;
	_ =	sdelay $0x1  }
0x25f: {  	v3 =	vperm.xlane v3, v2;
	v4 =	vadd.s32 v1, v4;
	_ =	sdelay $0x1  }
0x260: {  	v3 =	vadd.s32 v1, v3;
	_ =	sdelay $0x1  }
0x261: {  	s19 =	simm.s32 $0x13200  }
0x262: {  	[tilespmem:s19], [sflag:$0x2] =	stream.indirect_vreg.gather [hbm4b:s3+s14], $0x80, v4, vm0, $0xb8;
	[tilespmem:$0x18200] =	vst v63  }
0x263: {  	s20 =	simm.s32 $0x13A00  }
0x264: {  	[tilespmem:s20], [sflag:$0x2] =	stream.indirect_vreg.gather [hbm4b:s3+s14], $0x80, v3, vm0, $0xb8;
	[tilespmem:$0x18200] =	vst v63  }
0x265: {  	v3 =	vld [tilespmem:$0xC0];
	_ =	sdelay $0x4  }
0x266: {  	v4 =	vperm.xlane v3, v0;
	_ =	sdelay $0x1  }
0x267: {  	v3 =	vperm.xlane v3, v2;
	v4 =	vadd.s32 v1, v4;
	_ =	sdelay $0x1  }
0x268: {  	v3 =	vadd.s32 v1, v3;
	_ =	sdelay $0x1  }
0x269: {  	s21 =	simm.s32 $0x14200  }
0x26a: {  	[tilespmem:s21], [sflag:$0x2] =	stream.indirect_vreg.gather [hbm4b:s3+s14], $0x80, v4, vm0, $0xb8;
	[tilespmem:$0x18200] =	vst v63  }
0x26b: {  	s22 =	simm.s32 $0x14A00  }
0x26c: {  	[tilespmem:s22], [sflag:$0x2] =	stream.indirect_vreg.gather [hbm4b:s3+s14], $0x80, v3, vm0, $0xb8;
	[tilespmem:$0x18200] =	vst v63  }
0x26d: {  	v3 =	vld [tilespmem:$0xD0];
	_ =	sdelay $0x4  }
0x26e: {  	v4 =	vperm.xlane v3, v0;
	_ =	sdelay $0x1  }
0x26f: {  	v3 =	vperm.xlane v3, v2;
	v4 =	vadd.s32 v1, v4;
	_ =	sdelay $0x1  }
0x270: {  	v3 =	vadd.s32 v1, v3;
	_ =	sdelay $0x1  }
0x271: {  	s23 =	simm.s32 $0x15200  }
0x272: {  	[tilespmem:s23], [sflag:$0x2] =	stream.indirect_vreg.gather [hbm4b:s3+s14], $0x80, v4, vm0, $0xb8;
	[tilespmem:$0x18200] =	vst v63  }
0x273: {  	s24 =	simm.s32 $0x15A00  }
0x274: {  	[tilespmem:s24], [sflag:$0x2] =	stream.indirect_vreg.gather [hbm4b:s3+s14], $0x80, v3, vm0, $0xb8;
	[tilespmem:$0x18200] =	vst v63  }
0x275: {  	v3 =	vld [tilespmem:$0xE0];
	_ =	sdelay $0x4  }
0x276: {  	v4 =	vperm.xlane v3, v0;
	_ =	sdelay $0x1  }
0x277: {  	v3 =	vperm.xlane v3, v2;
	v4 =	vadd.s32 v1, v4;
	_ =	sdelay $0x1  }
0x278: {  	v3 =	vadd.s32 v1, v3;
	_ =	sdelay $0x1  }
0x279: {  	s15 =	simm.s32 $0x16200  }
0x27a: {  	[tilespmem:s15], [sflag:$0x2] =	stream.indirect_vreg.gather [hbm4b:s3+s14], $0x80, v4, vm0, $0xb8;
	[tilespmem:$0x18200] =	vst v63  }
0x27b: {  	s19 =	simm.s32 $0x16A00  }
0x27c: {  	[tilespmem:s19], [sflag:$0x2] =	stream.indirect_vreg.gather [hbm4b:s3+s14], $0x80, v3, vm0, $0xb8;
	[tilespmem:$0x18200] =	vst v63  }
0x27d: {  	v3 =	vld [tilespmem:$0xF0];
	_ =	sdelay $0x4  }
0x27e: {  	v4 =	vperm.xlane v3, v0;
	_ =	sdelay $0x1  }
0x27f: {  	v3 =	vperm.xlane v3, v2;
	v4 =	vadd.s32 v1, v4;
	_ =	sdelay $0x1  }
0x280: {  	v3 =	vadd.s32 v1, v3;
	_ =	sdelay $0x1  }
0x281: {  	s20 =	simm.s32 $0x17200  }
0x282: {  	[tilespmem:s20], [sflag:$0x2] =	stream.indirect_vreg.gather [hbm4b:s3+s14], $0x80, v4, vm0, $0xb8;
	[tilespmem:$0x18200] =	vst v63  }
0x283: {  	s21 =	simm.s32 $0x17A00  }
0x284: {  	[tilespmem:s21], [sflag:$0x2] =	stream.indirect_vreg.gather [hbm4b:s3+s14], $0x80, v3, vm0, $0xb8;
	[tilespmem:$0x18200] =	vst v63  }
0x285: {  	_ = 	snop  }
0x286: {  	[tilespmem:s8], [sflag:$0x2] =	stream.indirect.gather [hbm4b:s6+s26], $0x80, s28, s26, $0xb8;
	[tilespmem:$0x18200] =	vst v63  }
0x287: {  	_ =	swait.ge [sflag:s9], $0x4000  }
0x288: {  	[sflag:s9] =	ssyncset.done $0x0  }
0x289: {  	[sflag:s9] =	ssyncadd.s32 $0xFFFFC000  }
0x28a: {  	_ =	swait.ge [sflag:s9], $0x4000  }
0x28b: {  	[sflag:s9] =	ssyncset.done $0x0  }
0x28c: {  	s22 =	simm.s32 $0x220;
	[sflag:s9] =	ssyncadd.s32 $0xFFFFC000  }
0x28d: {  	v3 =	vld [tilespmem:s22+$0xFFFFFFE0];
	_ =	sdelay $0x2  }
0x28e: {  	s23 =	sand.u32 $0x7800, s14;
	s24 =	sand.u32 $0x380, s14  }
0x28f: {  	s15 =	sor.u32 s24, s23  }
0x290: {  	[tilespmem:s15+$0x8600] =	vst v3  }
0x291: {  	v3 =	vld [tilespmem:s22+$0xFFFFFFF0];
	_ =	sdelay $0x4  }
0x292: {  	[tilespmem:s15+$0x8610] =	vst v3  }
0x293: {  	v3 =	vld [tilespmem:s22+$0x0];
	_ =	sdelay $0x4  }
0x294: {  	[tilespmem:s15+$0x8620] =	vst v3;
	s15 =	simm.s32 $0x2A0  }
0x295: {  	s19 =	simm.s32 $0x100;
	s20 =	simm.s32 $0x200;
	v3 =	vld [tilespmem:s15+$0xFFFFFFE0]  }
.LBB2_12:
0x296: {  	p0 =	sne.s32 s20, $0x7F00  }
0x297: {  	s14 =	sadd.s32 $0x80, s14  }
0x298: {  	s0 =	sand.u32 $0x7800, s19;
	s19 =	smov.u32 s20;
	s21 =	sand.u32 $0x380, s14  }
0x299: {  	s0 =	sor.u32 s21, s0  }
0x29a: {  	[tilespmem:s0+$0x8600] =	vst v3  }
0x29b: {  	v3 =	vld [tilespmem:s15+$0xFFFFFFF0];
	_ =	sdelay $0x4  }
0x29c: {  	[tilespmem:s0+$0x8610] =	vst v3  }
0x29d: {  	v3 =	vld [tilespmem:s15+$0x0];
	_ =	sdelay $0x1  }
.Ltmp5:
0x29e: {  	(pc) =	sbr.rel @p0 .LBB2_12-.Ltmp5, $3  }
0x29f: {  	_ =	sdelay $0x1  }
0x2a0: {  	s15 =	sadd.s32 $0x80, s15;
	[tilespmem:s0+$0x8620] =	vst v3  }
0x2a1: {  	s20 =	sadd.s32 $0x100, s20;
	v3 =	vld [tilespmem:s15+$0xFFFFFFE0]  }
0x2a2: {  	_ = 	snop  }
0x2a3: {  	s0 =	sadd.s32 $0x80, s14  }
0x2a4: {  	s20 =	sand.u32 $0x7800, s19;
	s0 =	sand.u32 $0x380, s0  }
0x2a5: {  	s0 =	sor.u32 s0, s20  }
0x2a6: {  	[tilespmem:s0+$0x8600] =	vst v3  }
0x2a7: {  	v3 =	vld [tilespmem:s15+$0xFFFFFFF0];
	_ =	sdelay $0x4  }
0x2a8: {  	[tilespmem:s0+$0x8610] =	vst v3  }
0x2a9: {  	v3 =	vld [tilespmem:s15+$0x0];
	_ =	sdelay $0x4  }
0x2aa: {  	s14 =	simm.s32 $0x0;
	s21 =	rddreg [dreg:$0xe];
	[tilespmem:s0+$0x8620] =	vst v3  }
0x2ab: {  	[hbm4b:s21+s14] =	stream.linear.scatter [tilespmem:s30], [sflag:$0x5], $0x8000, $0x38;
	[tilespmem:$0x18200] =	vst v63  }
0x2ac: {  	_ =	swait.ge [sflag:s11], $0x4000  }
0x2ad: {  	[sflag:s11] =	ssyncset.done $0x0  }
0x2ae: {  	[sflag:s11] =	ssyncadd.s32 $0xFFFFC000  }
0x2af: {  	_ =	swait.ge [sflag:s11], $0x4000  }
0x2b0: {  	[sflag:s11] =	ssyncset.done $0x0  }
0x2b1: {  	s22 =	simm.s32 $0x4220;
	[sflag:s11] =	ssyncadd.s32 $0xFFFFC000  }
0x2b2: {  	v3 =	vld [tilespmem:s22+$0xFFFFFFE0];
	_ =	sdelay $0x1  }
0x2b3: {  	s23 =	sand.u32 $0x7800, s14;
	s24 =	sand.u32 $0x380, s14  }
0x2b4: {  	s15 =	sor.u32 s24, s23  }
0x2b5: {  	s15 =	sadd.s32 $0x10200, s15  }
0x2b6: {  	[tilespmem:s15+$0x400] =	vst v3  }
0x2b7: {  	v3 =	vld [tilespmem:s22+$0xFFFFFFF0];
	_ =	sdelay $0x4  }
0x2b8: {  	[tilespmem:s15+$0x410] =	vst v3  }
0x2b9: {  	v3 =	vld [tilespmem:s22+$0x0];
	_ =	sdelay $0x4  }
0x2ba: {  	[tilespmem:s15+$0x420] =	vst v3;
	s15 =	simm.s32 $0x42A0  }
0x2bb: {  	s19 =	simm.s32 $0x100;
	s20 =	simm.s32 $0x200;
	v3 =	vld [tilespmem:s15+$0xFFFFFFE0]  }
.LBB2_14:
0x2bc: {  	p0 =	sne.s32 s20, $0x7F00;
	s14 =	sadd.s32 $0x80, s14  }
0x2bd: {  	s0 =	sand.u32 $0x7800, s19;
	s19 =	smov.u32 s20;
	s21 =	sand.u32 $0x380, s14  }
0x2be: {  	s0 =	sor.u32 s21, s0  }
0x2bf: {  	s0 =	sadd.s32 $0x10200, s0  }
0x2c0: {  	[tilespmem:s0+$0x400] =	vst v3  }
0x2c1: {  	v3 =	vld [tilespmem:s15+$0xFFFFFFF0];
	_ =	sdelay $0x4  }
0x2c2: {  	[tilespmem:s0+$0x410] =	vst v3  }
0x2c3: {  	v3 =	vld [tilespmem:s15+$0x0];
	_ =	sdelay $0x1  }
.Ltmp6:
0x2c4: {  	(pc) =	sbr.rel @p0 .LBB2_14-.Ltmp6, $3  }
0x2c5: {  	_ =	sdelay $0x1  }
0x2c6: {  	s15 =	sadd.s32 $0x80, s15;
	[tilespmem:s0+$0x420] =	vst v3  }
0x2c7: {  	s20 =	sadd.s32 $0x100, s20;
	v3 =	vld [tilespmem:s15+$0xFFFFFFE0]  }
0x2c8: {  	s0 =	sadd.s32 $0x80, s14  }
0x2c9: {  	s21 =	sand.u32 $0x7800, s19;
	s0 =	sand.u32 $0x380, s0  }
0x2ca: {  	s0 =	sor.u32 s0, s21  }
0x2cb: {  	s0 =	sadd.s32 $0x10200, s0  }
0x2cc: {  	[tilespmem:s0+$0x400] =	vst v3  }
0x2cd: {  	v3 =	vld [tilespmem:s15+$0xFFFFFFF0];
	_ =	sdelay $0x4  }
0x2ce: {  	[tilespmem:s0+$0x410] =	vst v3  }
0x2cf: {  	v3 =	vld [tilespmem:s15+$0x0];
	_ =	sdelay $0x4  }
0x2d0: {  	s22 =	rddreg [dreg:$0xf];
	[tilespmem:s0+$0x420] =	vst v3  }
0x2d1: {  	[hbm4b:s22+s4] =	stream.linear.scatter [tilespmem:s2], [sflag:$0x6], $0x8000, $0x38;
	[tilespmem:$0x18200] =	vst v63  }
0x2d2: {  	_ =	swait.ge [sflag:s10], $0x8000  }
0x2d3: {  	[sflag:s10] =	ssyncset.done $0x0  }
0x2d4: {  	[sflag:s10] =	ssyncadd.s32 $0xFFFF8000  }
0x2d5: {  	_ =	swait.ge [sflag:s13], $0x8000  }
0x2d6: {  	s23 =	rddreg [dreg:$0x11]  }
0x2d7: {  	s24 =	rddreg [dreg:$0x10];
	s14 =	sadd.s32 $0x1, s23  }
0x2d8: {  	p0 =	sne.s32 s14, s24  }
.Ltmp7:
0x2d9: {  	_ = 	snop;
	(pc) =	sbr.rel @p0 .LBB2_1-.Ltmp7, $3  }
0x2da: {  	_ =	sdelay $0x1  }
0x2db: {  	[sflag:s13] =	ssyncset.done $0x0  }
0x2dc: {  	[sflag:s13] =	ssyncadd.s32 $0xFFFF8000  }
0x2dd: {  	_ =	sfence.sel $0x180000  }
0x2de: {  	[bflag:$0x0] =	sbarrier.arrive $0xFFFF  }
0x2df: {  	_ =	strace $0x90000047  }
0x2e0: {  	s0 =	stileid.u32;
	[bflag:$0x2] =	sbarrier.arrive $0xFFFF  }
0x2e1: {  	p0 =	sne.s32 s0, $0x0;
	s0 =	rddreg [dreg:$0x3]  }
0x2e2: {  	s0 =	sadd.s32 @!p0 $0x100000, s0  }
0x2e3: {  	[sflag:s0] =	ssyncadd.tile.s32 @!p0 $0x1;
	_ =	shalt  }
.Lfunc_end2:
_tile_overlayer_lowered:
.L_overlay_start_2:
0x2e4: {  	(tag) =	ssettag $0x2  }
0x2e5: {  	s0 =	rddreg [dreg:$0x0];
	s2 =	stileid.u32  }
0x2e6: {  	s1 =	rddreg [dreg:$0x1];
	p0 =	sne.s32 s2, $0x0  }
0x2e7: {  	s3 =	rddreg [dreg:$0x2];
	[bflag:$0x3] =	sbarrier.arrive $0xFFFF;
	s2 =	simm.s32 @!p0 $0x1C07  }
0x2e8: {  	[timem:s3], [sflag:s2] =	dma.local @!p0 [hbm:s0], s1  }
0x2e9: {  	s0 =	simm.s32 @!p0 $0x7  }
0x2ea: {  	_ =	swait.ge @!p0 [sflag:s0], s1  }
0x2eb: {  	s1 =	ssub.s32 @!p0 $0x0, s1;
	[sflag:s0] =	ssyncset.done @!p0 $0x0  }
0x2ec: {  	[sflag:s0] =	ssyncadd.s32 @!p0 s1  }
0x2ed: {  	[bflag:$0x3] =	sbarrier.arrive $0xFFFF  }
0x2ee: {  	_ =	shalt  }

// kernel: sparse-core-data-format-call.cloned.1.call-start
scs
called_computation_lowered:
.L_overlay_start_0:
0x0: {  	s2 =	sld [smem:$0x3FD9]  }
0x1: {  	s3 =	sld [smem:$0x3FFE];
	_ =	sdelay $0x1  }
0x2: {  	s1 =	srdreg.scid  }
0x3: {  	s0 =	sand.u32 $0x1, s1  }
0x4: {  	s18 =	sshll.u32 s0, $0xA;
	s2 =	sadd.s32 s3, s2  }
0x5: {  	s2 =	sadd.s32 s2, s18  }
0x6: {  	[smem:$0x3FC2] =	sst s2  }
0x7: {  	_ = 	snop  }
0x8: {  	s2 =	sld [smem:$0x3FD0];
	(tm) =	ssettm $0x1  }
0x9: {  	s19 =	sld [smem:$0x3FFB];
	_ =	sdelay $0x3  }
0xa: {  	_ =	strace s19  }
0xb: {  	s3 =	sld [smem:$0x3FFC];
	_ =	sdelay $0x3  }
0xc: {  	_ =	strace s3  }
0xd: {  	s3 =	sld [smem:$0x3FFD];
	_ =	sdelay $0x3  }
0xe: {  	_ =	strace s3  }
0xf: {  	_ =	strace $0x8FFFFFFF  }
0x10: {  	s20 =	sld [smem:$0x3FDB];
	_ =	sdelay $0x1  }
0x11: {  	s4 =	simm.s32 $_scs_section_size  }
0x12: {  	s5 =	simm.s32 $_size__tile_overlayer_lowered;
	s6 =	simm.s32 $_tile_overlayer_lowered  }
0x13: {  	s23 =	simm.s32 $0x1BFF;
	s22 =	sshll.u32 s6, $0x1;
	s3 =	sadd.s32 s4, s20  }
0x14: {  	s7 =	simm.s32 $0x0;
	s21 =	sshll.u32 s5, $0x1;
	s5 =	sadd.s32 s22, s3  }
0x15: {  	[timem:s7], [sflag:s23] =	dma.local [hbm:s5], s21  }
0x16: {  	_ =	swait.ge [sflag:s23], s21  }
0x17: {  	s4 =	ssub.s32 $0x0, s21;
	[sflag:s23] =	ssyncset.done $0x0  }
0x18: {  	[sflag:s23] =	ssyncadd.s32 s4;
	_ =	sdelay $0x1  }
0x19: {  	s24 =	simm.s32 $0x1B8B  }
0x1a: {  	_ =	swait.ge [sflag:s24], $0x1  }
0x1b: {  	[sflag:s24] =	ssyncset.done $0x0  }
0x1c: {  	s26 =	simm.s32 $0x1B8E;
	s25 =	sld [smem:$0x3FFE];
	[sflag:s24] =	ssyncadd.s32 $0xFFFFFFFF  }
0x1d: {  	s27 =	simm.s32 $execute0_lowered;
	[smem:$0x3FD2] =	sst s26  }
0x1e: {  	s5 =	sshll.u32 s27, $0x1;
	_ =	strace $0x80000049;
	[dreg:$0x1] =	wrdreg $0xFFFFFFFF  }
0x1f: {  	s28 =	simm.s32 $_size_execute0_lowered;
	s3 =	sadd.s32 s3, s5;
	[dreg:$0x0] =	wrdreg $0x0  }
0x20: {  	s5 =	sshll.u32 s28, $0x1;
	[dreg:$0x2] =	wrdreg s3  }
0x21: {  	[dreg:$0x3] =	wrdreg s5  }
0x22: {  	[dreg:$0x4] =	wrdreg $0xC0  }
0x23: {  	_ =	task [dreg:s7], $0x5FFFF  }
0x24: {  	[dreg:$0x1] =	wrdreg $0xFFFFFFFF  }
0x25: {  	[dreg:$0x0] =	wrdreg $0x60  }
0x26: {  	[dreg:$0x2] =	wrdreg s25  }
0x27: {  	[dreg:$0x3] =	wrdreg s2  }
0x28: {  	[dreg:$0x4] =	wrdreg $0x9  }
0x29: {  	_ =	task.clear_ibuf [dreg:s7], $0x5FFFF;
	_ =	strace $0x90000049  }
0x2a: {  	s29 =	simm.s32 $0x9;
	_ =	strace $0x8000004B  }
0x2b: {  	_ =	swait.ge [sflag:s29], $0x1  }
0x2c: {  	[sflag:s29] =	ssyncadd.s32 $0xFFFFFFFF  }
0x2d: {  	_ =	strace $0x9000004B  }
0x2e: {  	_ =	sfence  }
0x2f: {  	s30 =	sld [smem:$0x0];
	_ =	sdelay $0x2  }
0x30: {  	s31 =	sshll.u32 s1, $0xD;
	s1 =	sshrl.u32 s1, $0x2  }
0x31: {  	s3 =	sand.u32 $0x4000, s31;
	s1 =	sadd.s32 s1, s30  }
0x32: {  	s0 =	sor.u32 s3, s0;
	s1 =	sshll.u32 s1, $0x11  }
0x33: {  	s0 =	sor.u32 s1, s0  }
0x34: {  	s0 =	sadd.s32 $0x8F2B, s0  }
0x35: {  	[sflag:s0] =	ssyncadd.remote.s32 $0x1  }
0x36: {  	_ =	sfence.sel $0xFFFF  }
0x37: {  	[dreg:$0x0] =	wrdreg $0xFFFFFFFF;
	(pc) =	sbr.abs _section_cstart, $3  }
0x38: {  	[dreg:$0x1] =	wrdreg $0xFFFFFFFF  }
0x39: {  	_ =	task.clear_ibuf [dreg:s7], $0x2FFFF;
	_ =	strace $0x9FFFFFFF  }
0x3a: {  	(tm) =	ssettm $0x7FFFFFFF  }
0x3b: {  	_ =	shalt  }
tec
execute0_lowered:
.L_overlay_start_1:
0x0: {  	(tag) =	ssettag $0x1  }
0x1: {  	s4 =	rddreg [dreg:$0x0]  }
0x2: {  	s0 =	stileid.u32;
	s2 =	rddreg [dreg:$0x1]  }
0x3: {  	s1 =	rddreg [dreg:$0x2];
	_ =	strace $0x8000004A;
	s10 =	srdreg.scid  }
0x4: {  	s31 =	simm.s32 $0x2;
	s18 =	simm.s32 $0x0;
	s11 =	simm.s32 $0x2000  }
0x5: {  	s19 =	simm.s32 $0x0;
	s20 =	simm.s32 $0x0;
	s12 =	simm.s32 $0x0  }
0x6: {  	s13 =	simm.s32 $0x0;
	s14 =	simm.s32 $0x0;
	s3 =	sshll.u32 s0, $0x7  }
0x7: {  	s17 =	simm.s32 $0x0;
	s4 =	sadd.s32 $0xCA00, s4;
	s3 =	sand.u32 $0x380, s3  }
0x8: {  	s5 =	sshrl.u32 s0, $0x3;
	s30 =	sshll.u32 s10, $0x7;
	s6 =	ssub.s32 $0x400, s3  }
0x9: {  	s8 =	ssub.s32 $0xC8, s5;
	s7 =	sshrl.u32 s6, $0xA;
	s6 =	sand.u32 $0x380, s6  }
0xa: {  	s9 =	sshrl.u32 s8, $0x1;
	p0 =	sne.s32 s6, $0x0;
	s6 =	simm.s32 $0x1  }
.Ltmp0:
0xb: {  	s8 =	sand.u32 $0x1, s8;
	s6 =	simm.s32 @!p0 $0x0;
	(pc) =	sbr.rel .LBB1_1-.Ltmp0, $4  }
0xc: {  	s15 =	smov.u32 s5;
	s8 =	sadd.s32 s8, s9;
	s7 =	sadd.s32 s6, s7  }
0xd: {  	s16 =	smov.u32 s3;
	s6 =	simm.s32 $0x1;
	s7 =	smul.u32 s8, s7  }
0xe: {  	p0 =	por $0x0, $0x0;
	s8 =	sand.u32 $0x80, s30;
	[sflag:s6] =	ssyncpa.u1 $0x0  }
0xf: {  	[sflag:s31] =	ssyncpa.u1 $0x0;
	s9 =	sshll.u32 s8, $0x3;
	s10 =	sadd.s32 $0x1, s7  }
.LBB1_4:
0x10: {  	s25 =	sshra.s32 s25, $0x2;
	s26 =	sshrl.u32 s14, $0x7;
	p1 =	sgt.s32 s14, $0x380  }
0x11: {  	s27 =	sshra.s32 s14, $0x1F;
	s29 =	smov.u32 s13;
	s31 =	sshra.s32 s13, $0x1F  }
0x12: {  	s24 =	sadd.s32 s25, s24;
	s30 =	sadd.s32 s26, s12;
	s26 =	smov.u32 s14  }
0x13: {  	v5 =	vld [tilespmem:s22+$0xFFFFFFD0];
	[tilespmem:s23+$0x2040 ss:$0x81] =	vst.msk $0xffff, v4;
	s27 =	sand.u32 s27, s14;
	s25 =	sand.u32 $0x3FFFFF, s30;
	s26 =	simm.s32 @!p1 $0x380  }
0x14: {  	v58 =	vld [tilespmem:s22+$0xFFFFFFE0];
	[tilespmem:s23+$0x2850 ss:$0x81] =	vst.msk $0xffff, v3;
	p1 =	sgt.s32 s13, $0xC7;
	s28 =	smulhi.u32 $0x1745D18, s25;
	s26 =	ssub.s32 s26, s27  }
0x15: {  	v59 =	vld [tilespmem:s22+$0xFFFFFFF0];
	[tilespmem:s23+$0x3060 ss:$0x81] =	vst.msk $0xffff, v2;
	s29 =	simm.s32 @!p1 $0xC7;
	s27 =	sand.u32 s31, s13;
	p1 =	sgt.s32 s12, $0x30  }
0x16: {  	v60 =	vld [tilespmem:s22+$0x0];
	[tilespmem:s23+$0x0 ss:$0x81] =	vst.msk $0xffff, v1;
	s23 =	ssub.s32 s29, s27;
	s27 =	smov.u32 s12;
	s30 =	sadd.s32 $0xFFFFFC80, s26  }
0x17: {  	v61 =	vld [tilespmem:s22+$0x10];
	[tilespmem:s24+$0x3870 ss:$0x81] =	vst.msk $0xffff, v0;
	s26 =	ssub.s32 $0x400, s26;
	s27 =	simm.s32 @!p1 $0x30;
	p1 =	sgt.s32 s30, $0x7F  }
0x18: {  	v62 =	vld [tilespmem:s22+$0x20];
	s28 =	smul.u32 $0xB0, s28;
	[tilespmem:s24+$0x810 ss:$0x81] =	vst.msk $0xffff, v5;
	s27 =	ssub.s32 $0xB0, s27;
	s26 =	simm.s32 @p1 $0x0  }
0x19: {  	v63 =	vld [tilespmem:s22+$0xFFFFFFC0];
	s29 =	sand.u32 $0x7, s14;
	s31 =	sadd.s32 $0xFFFFFF39, s23;
	[tilespmem:s24+$0x1020 ss:$0x81] =	vst.msk $0xffff, v58;
	s26 =	smul.u32 s27, s26  }
0x1a: {  	s22 =	ssub.s32 $0xC8, s23;
	[tilespmem:s24+$0x1830 ss:$0x81] =	vst.msk $0xffff, v59;
	p1 =	sgt.s32 s31, $0x0;
	s27 =	smul.u32 $0x5800, s13  }
0x1b: {  	[tilespmem:s24+$0x2040 ss:$0x81] =	vst.msk $0xffff, v60;
	s22 =	simm.s32 @p1 $0x0;
	s25 =	ssub.s32 s25, s28;
	s28 =	sshrl.u32 s14, $0x3  }
0x1c: {  	[tilespmem:s24+$0x2850 ss:$0x81] =	vst.msk $0xffff, v61;
	s23 =	sand.u32 $0xF, s28;
	s22 =	smul.u32 s22, s26;
	s26 =	sadd.s32 s2, s27  }
0x1d: {  	[tilespmem:s24+$0x3060 ss:$0x81] =	vst.msk $0xffff, v62;
	s30 =	sshll.u32 s29, $0x12;
	s25 =	sshll.u32 s25, $0x7;
	s23 =	sadd.s32 s23, s26  }
0x1e: {  	[tilespmem:s24+$0x0 ss:$0x81] =	vst.msk $0xffff, v63;
	s31 =	sor.u32 $0x400, s30;
	s22 =	sand.u32 $0x3FFFFFFF, s22;
	s23 =	sadd.s32 s25, s23  }
0x1f: {  	[hbm4b:s23+s31] =	stream.strided.scatter [tilespmem:s21], [sflag:$0x2], s22, s11, s31, $0x20;
	[tilespmem:$0x10100] =	vst v63  }
.LBB1_5:
0x20: {  	p1 =	slt.u32 s17, $0x2;
	s21 =	smov.u32 s19  }
0x21: {  	s22 =	smov.u32 s20;
	p2 =	sgt.s32 @!p1 s19, $0xC7;
	p3 =	sgt.s32 @!p1 s20, $0x380  }
0x22: {  	s23 =	sshra.s32 @!p1 s20, $0x1F;
	p2 =	por !p2, p1;
	p3 =	por !p3, p1  }
0x23: {  	s20 =	sand.u32 @!p1 s23, s20;
	s21 =	simm.s32 @p2 $0xC7;
	s22 =	simm.s32 @p3 $0x380  }
0x24: {  	p2 =	sgt.s32 @!p1 s18, $0x30;
	s20 =	ssub.s32 @!p1 s22, s20;
	s22 =	sshra.s32 @!p1 s19, $0x1F  }
0x25: {  	p2 =	por !p2, p1;
	s19 =	sand.u32 @!p1 s22, s19;
	s22 =	sadd.s32 @!p1 $0xFFFFFC80, s20  }
0x26: {  	s18 =	simm.s32 @p2 $0x30;
	s19 =	ssub.s32 @!p1 s21, s19;
	p2 =	sgt.s32 @!p1 s22, $0x7F  }
0x27: {  	s20 =	ssub.s32 @!p1 $0x400, s20;
	s21 =	sadd.s32 @!p1 $0xFFFFFF39, s19;
	p2 =	por !p2, p1  }
0x28: {  	s18 =	ssub.s32 @!p1 $0xB0, s18;
	s20 =	simm.s32 @!p2 $0x0;
	p2 =	sgt.s32 @!p1 s21, $0x0  }
0x29: {  	s19 =	ssub.s32 @!p1 $0xC8, s19;
	p2 =	por !p2, p1;
	s18 =	smul.u32 @!p1 s18, s20  }
0x2a: {  	s23 =	smov.u32 s16;
	s21 =	sadd.s32 $0x2, s15;
	s19 =	simm.s32 @!p2 $0x0  }
0x2b: {  	p2 =	sgt.s32 s21, $0xC7;
	s18 =	smul.u32 @!p1 s19, s18;
	s19 =	sadd.s32 $0x400, s16  }
0x2c: {  	s25 =	sadd.s32 $0x1, s17;
	s23 =	smov.u32 @p2 s19  }
0x2d: {  	p0 =	por !p0, !p0;
	s21 =	smov.u32 @p2 s5;
	p2 =	sgt.s32 s23, $0x3FF  }
0x2e: {  	s22 =	simm.s32 @!p1 $0x2;
	s23 =	smov.u32 @p2 s3;
	p2 =	sne.s32 s17, s10  }
.Ltmp1:
0x2f: {  	s20 =	smov.u32 s14;
	s14 =	smov.u32 s16;
	(pc) =	sbr.rel @!p2 .LBB1_6-.Ltmp1, $4  }
0x30: {  	s19 =	smov.u32 s13;
	s13 =	smov.u32 s15;
	s18 =	sand.u32 @!p1 $0x3FFFFFFF, s18  }
0x31: {  	s15 =	smov.u32 s21;
	_ =	swait.ge @!p1 [sflag:s22], s18;
	s24 =	ssub.s32 @!p1 $0x0, s18  }
0x32: {  	s18 =	smov.u32 s12;
	s12 =	smov.u32 s8;
	[sflag:s22] =	ssyncset.done @!p1 $0x0  }
0x33: {  	s17 =	smov.u32 s25;
	s16 =	smov.u32 s23;
	[sflag:s22] =	ssyncadd.s32 @!p1 s24  }
.LBB1_1:
0x34: {  	p1 =	sge.u32 s17, s7  }
0x35: {  	s21 =	sshll.u32 @!p1 s15, $0x8  }
0x36: {  	s22 =	sshll.u32 @!p1 s15, $0x7;
	s21 =	sand.u32 @!p1 $0xFFFFF800, s21  }
0x37: {  	s22 =	sand.u32 @!p1 $0x300, s22;
	s21 =	sor.u32 @!p1 s9, s21  }
0x38: {  	s21 =	sor.u32 @!p1 s22, s21  }
0x39: {  	s21 =	sshrl.u32 @!p1 s21, $0x8  }
0x3a: {  	s22 =	smulhi.u32 @!p1 $0x147AE15, s21;
	_ =	sdelay $0x1  }
0x3b: {  	s22 =	smul.u32 @!p1 $0xC8, s22  }
0x3c: {  	s31 =	sadd.s32 $0xFFFFFFFF, s17;
	s23 =	smul.u32 @!p1 $0x1900, s16  }
0x3d: {  	s24 =	sxor.u32 @!p1 $0xFFFFFFFF, s17;
	s21 =	ssub.s32 @!p1 s21, s22;
	s22 =	sshll.u32 @!p1 s15, $0x4  }
0x3e: {  	s24 =	sshll.u32 @!p1 s24, $0xE;
	s23 =	sadd.s32 @!p1 s4, s23;
	s22 =	sand.u32 @!p1 $0x10, s22  }
0x3f: {  	s24 =	sand.u32 @!p1 $0x4000, s24;
	s21 =	sshll.u32 @!p1 s21, $0x5;
	s22 =	sadd.s32 @!p1 s22, s23  }
0x40: {  	s23 =	simm.s32 @!p1 $0xC800;
	s21 =	sadd.s32 @!p1 s21, s22;
	s22 =	simm.s32 @!p1 $0x80  }
0x41: {  	[tilespmem:s24], [sflag:$0x1] =	stream.strided.gather @!p1 [hbm4b:s21+s22], $0x4000, s23, s22, $0x38;
	[tilespmem:$0x10100] =	vst v63  }
0x42: {  	p1 =	sge.u32 s31, s7  }
.Ltmp2:
0x43: {  	_ = 	snop;
	(pc) =	sbr.rel @p1 .LBB1_5-.Ltmp2, $1  }
0x44: {  	_ =	sdelay $0x3  }
0x45: {  	s21 =	simm.s32 $0x1  }
0x46: {  	_ =	swait.ge [sflag:s6], $0x4000;
	s21 =	simm.s32 @!p0 $0x0  }
0x47: {  	[sflag:s6] =	ssyncset.done $0x0;
	s22 =	sshll.u32 s21, $0xE  }
0x48: {  	[sflag:s6] =	ssyncadd.s32 $0xFFFFC000;
	s22 =	sor.u32 $0x40, s22  }
0x49: {  	s21 =	smul.u32 $0x10200, s21;
	v0 =	vld [tilespmem:s22+$0x30]  }
0x4a: {  	v1 =	vld [tilespmem:s22+$0xFFFFFFD0]  }
0x4b: {  	s21 =	sshrl.u32 s21, $0x2;
	v5 =	vld [tilespmem:s22+$0xFFFFFFE0]  }
0x4c: {  	v6 =	vld [tilespmem:s22+$0xFFFFFFF0];
	s24 =	sor.u32 $0x8000, s21  }
0x4d: {  	s31 =	sand.u32 $0x1, s17;
	v4 =	vld [tilespmem:s22+$0x0];
	s23 =	sadd.s32 $0x0, s24  }
0x4e: {  	v3 =	vld [tilespmem:s22+$0x10];
	s21 =	smul.u32 $0x10200, s31;
	[tilespmem:s23+$0x3870 ss:$0x81] =	vst.msk $0xffff, v0  }
0x4f: {  	v2 =	vld [tilespmem:s22+$0x20];
	[tilespmem:s23+$0x810 ss:$0x81] =	vst.msk $0xffff, v1  }
0x50: {  	s21 =	sshrl.u32 s21, $0x2;
	v1 =	vld [tilespmem:s22+$0xFFFFFFC0];
	[tilespmem:s23+$0x1020 ss:$0x81] =	vst.msk $0xffff, v5;
	s22 =	sadd.s32 $0x80, s22  }
0x51: {  	s25 =	simm.s32 $0x4;
	s26 =	simm.s32 $0x8;
	s21 =	sor.u32 $0x8000, s21;
	[tilespmem:s23+$0x1830 ss:$0x81] =	vst.msk $0xffff, v6;
	v0 =	vld [tilespmem:s22+$0x30]  }
.LBB1_3:
0x52: {  	p1 =	sne.s32 s26, $0x1FC;
	v5 =	vld [tilespmem:s22+$0xFFFFFFD0];
	[tilespmem:s23+$0x2040 ss:$0x81] =	vst.msk $0xffff, v4  }
0x53: {  	v6 =	vld [tilespmem:s22+$0xFFFFFFE0];
	[tilespmem:s23+$0x2850 ss:$0x81] =	vst.msk $0xffff, v3  }
0x54: {  	s27 =	sshra.s32 s25, $0x2;
	s25 =	smov.u32 s26;
	v7 =	vld [tilespmem:s22+$0xFFFFFFF0];
	[tilespmem:s23+$0x3060 ss:$0x81] =	vst.msk $0xffff, v2  }
.Ltmp3:
0x55: {  	v4 =	vld [tilespmem:s22+$0x0];
	[tilespmem:s23+$0x0 ss:$0x81] =	vst.msk $0xffff, v1;
	s23 =	sadd.s32 s27, s24;
	(pc) =	sbr.rel @p1 .LBB1_3-.Ltmp3, $4  }
0x56: {  	v3 =	vld [tilespmem:s22+$0x10];
	[tilespmem:s23+$0x3870 ss:$0x81] =	vst.msk $0xffff, v0  }
0x57: {  	[tilespmem:s23+$0x810 ss:$0x81] =	vst.msk $0xffff, v5;
	v2 =	vld [tilespmem:s22+$0x20]  }
0x58: {  	v1 =	vld [tilespmem:s22+$0xFFFFFFC0];
	[tilespmem:s23+$0x1020 ss:$0x81] =	vst.msk $0xffff, v6;
	s22 =	sadd.s32 $0x80, s22  }
0x59: {  	s26 =	sadd.s32 $0x4, s26;
	v0 =	vld [tilespmem:s22+$0x30];
	[tilespmem:s23+$0x1830 ss:$0x81] =	vst.msk $0xffff, v7  }
.Ltmp4:
0x5a: {  	_ = 	snop;
	(pc) =	sbr.rel .LBB1_4-.Ltmp4, $1  }
0x5b: {  	_ =	sdelay $0x3  }
.LBB1_6:
0x5c: {  	_ =	sfence.sel $0x180000  }
0x5d: {  	s2 =	simm.s32 $0x1;
	[bflag:$0x0] =	sbarrier.arrive $0xFFFF  }
0x5e: {  	s31 =	simm.s32 $0x2;
	[sflag:s2] =	ssyncpa.u1 $0x1  }
0x5f: {  	[sflag:s31] =	ssyncpa.u1 $0x1  }
0x60: {  	p0 =	sne.s32 s0, $0x0;
	_ =	strace $0x9000004A  }
0x61: {  	s0 =	sadd.s32 @!p0 $0x100000, s1;
	[bflag:$0x2] =	sbarrier.arrive $0xFFFF  }
0x62: {  	[sflag:s0] =	ssyncadd.tile.s32 @!p0 $0x1;
	_ =	shalt  }
.Lfunc_end1:
_tile_overlayer_lowered:
.L_overlay_start_2:
0x63: {  	(tag) =	ssettag $0x2  }
0x64: {  	s0 =	rddreg [dreg:$0x0];
	s2 =	stileid.u32  }
0x65: {  	s1 =	rddreg [dreg:$0x1];
	p0 =	sne.s32 s2, $0x0  }
0x66: {  	s3 =	rddreg [dreg:$0x2];
	[bflag:$0x3] =	sbarrier.arrive $0xFFFF;
	s2 =	simm.s32 @!p0 $0x1C01  }
0x67: {  	[timem:s3], [sflag:s2] =	dma.local @!p0 [hbm:s0], s1  }
0x68: {  	s0 =	simm.s32 @!p0 $0x1  }
0x69: {  	_ =	swait.ge @!p0 [sflag:s0], s1  }
0x6a: {  	s1 =	ssub.s32 @!p0 $0x0, s1;
	[sflag:s0] =	ssyncset.done @!p0 $0x0  }
0x6b: {  	[sflag:s0] =	ssyncadd.s32 @!p0 s1  }
0x6c: {  	[bflag:$0x3] =	sbarrier.arrive $0xFFFF  }
0x6d: {  	_ =	shalt  }

</sc_bundles>
